<compile_context>
chip_gen: v7x
topology: tpu7x:2x2x1
jax: 0.10.2.dev20260603
libtpu: 0.0.44.dev20260713+nightly
codegen_flags: <defaults>
</compile_context>

<pallas_src>
import functools

import jax
import jax.numpy as jnp
from jax import lax
from jax.experimental import pallas as pl
from jax.experimental.pallas import tpu as pltpu
from jax.experimental.pallas import tpu_sc as plsc

NC = 2
NS = 16
NW = NC * NS
CH = 100



@functools.cache
def _make_prop(n: int, npad: int, d: int, e: int):
    ept = e // NW
    nch = ept // CH
    assert ept * NW == e and nch * CH == ept
    rpt = npad // NS
    assert rpt * NS == npad and rpt % 8 == 0
    mesh = plsc.VectorSubcoreMesh(core_axis_name="c", subcore_axis_name="s")

    @functools.partial(
        pl.kernel,
        out_type=jax.ShapeDtypeStruct((NC, npad, d), jnp.float32),
        mesh=mesh,
        scratch_types=[
            pltpu.VMEM((nch, CH), jnp.int32),
            pltpu.VMEM((nch, CH), jnp.int32),
            pltpu.VMEM((CH, d), jnp.float32),
            pltpu.VMEM_SHARED((npad, d), jnp.float32),
            pltpu.SemaphoreType.DMA,
        ],
    )
    def prop(y_hbm, srcs_hbm, dsts_hbm, zeros_hbm, out_hbm,
             src_v, dst_v, rows_v, accum, sem):
        c = lax.axis_index("c")
        s = lax.axis_index("s")
        wid = c * NS + s
        pltpu.sync_copy(srcs_hbm.at[wid], src_v)
        pltpu.sync_copy(dsts_hbm.at[wid], dst_v)
        r0 = s * rpt
        pltpu.sync_copy(zeros_hbm.at[pl.ds(r0, rpt)], accum.at[pl.ds(r0, rpt)])
        plsc.subcore_barrier()

        def body(j, carry):
            pltpu.async_copy(y_hbm.at[src_v.at[j]], rows_v, sem).wait()
            pltpu.sync_copy(rows_v, accum.at[dst_v.at[j]], add=True)
            return carry

        lax.fori_loop(0, nch, body, 0)
        plsc.subcore_barrier()
        pltpu.sync_copy(accum.at[pl.ds(r0, rpt)], out_hbm.at[c, pl.ds(r0, rpt)])

    return prop


@functools.cache
def _make_deg(n: int, e: int):
    ept = e // NW
    assert ept * NW == e and ept % 16 == 0
    mesh = plsc.VectorSubcoreMesh(core_axis_name="c", subcore_axis_name="s")

    @functools.partial(
        pl.kernel,
        out_type=jax.ShapeDtypeStruct((NW, n), jnp.float32),
        mesh=mesh,
        scratch_types=[
            pltpu.VMEM((ept,), jnp.int32),
            pltpu.VMEM((n,), jnp.float32),
        ],
        compiler_params=pltpu.CompilerParams(needs_layout_passes=False),
    )
    def deg(dsts_hbm, zeros_hbm, out_hbm, dst_v, cnt_v):
        c = lax.axis_index("c")
        s = lax.axis_index("s")
        wid = c * NS + s
        pltpu.sync_copy(dsts_hbm.at[wid], dst_v)
        pltpu.sync_copy(zeros_hbm, cnt_v)
        ones16 = jnp.ones((16,), jnp.float32)

        def body(i, carry):
            idx = dst_v[pl.ds(i * 16, 16)]
            plsc.addupdate_scatter(cnt_v, [idx], ones16)
            return carry

        lax.fori_loop(0, ept // 16, body, 0)
        pltpu.sync_copy(cnt_v, out_hbm.at[wid])

    return deg



def _blk(n):
    return next(b for b in (2048, 2000, 1280, 1000, 640, 512, 400, 200, 8)
                if n % b == 0)


def _pre_body(cnt_ref, x_ref, w_ref, dinv_ref, y_ref):
    deg = 1.0 + jnp.sum(cnt_ref[...], axis=1)
    dinv = lax.rsqrt(deg)[:, None]
    dinv_ref[...] = dinv
    y_ref[...] = jnp.dot(x_ref[...], w_ref[...],
                         preferred_element_type=jnp.float32) * dinv


def _pre(cnt_t, x, w):
    n, din = x.shape
    d = w.shape[1]
    blk = _blk(n)
    return pl.pallas_call(
        _pre_body,
        grid=(n // blk,),
        in_specs=[pl.BlockSpec((blk, NW), lambda i: (i, 0)),
                  pl.BlockSpec((blk, din), lambda i: (i, 0)),
                  pl.BlockSpec((din, d), lambda i: (0, 0))],
        out_specs=[pl.BlockSpec((blk, 1), lambda i: (i, 0)),
                   pl.BlockSpec((blk, d), lambda i: (i, 0))],
        out_shape=[jax.ShapeDtypeStruct((n, 1), jnp.float32),
                   jax.ShapeDtypeStruct((n, d), jnp.float32)],
    )(cnt_t, x, w)


def _mid_body(p_ref, y1_ref, dinv_ref, b1_ref, y2_ref):
    dinv = dinv_ref[...]
    pre = dinv * (p_ref[0] + p_ref[1] + y1_ref[...]) + b1_ref[...][None, :]
    y2_ref[...] = dinv * jnp.maximum(pre, 0.0)


def _mid(p, y1, dinv, b1):
    n, d = y1.shape
    blk = _blk(n)
    return pl.pallas_call(
        _mid_body,
        grid=(n // blk,),
        in_specs=[pl.BlockSpec((NC, blk, d), lambda i: (0, i, 0)),
                  pl.BlockSpec((blk, d), lambda i: (i, 0)),
                  pl.BlockSpec((blk, 1), lambda i: (i, 0)),
                  pl.BlockSpec((d,), lambda i: (0,))],
        out_specs=pl.BlockSpec((blk, d), lambda i: (i, 0)),
        out_shape=jax.ShapeDtypeStruct((n, d), jnp.float32),
    )(p, y1, dinv, b1)


def _final_body(q_ref, y2_ref, dinv_ref, wmu_ref, bmu_ref, wls_ref, bls_ref,
                mu_ref, ls_ref):
    g = dinv_ref[...] * (q_ref[0] + q_ref[1] + y2_ref[...])
    mu_ref[...] = (jnp.dot(g, wmu_ref[...], preferred_element_type=jnp.float32)
                   + bmu_ref[...][None, :])
    ls_ref[...] = (jnp.dot(g, wls_ref[...], preferred_element_type=jnp.float32)
                   + bls_ref[...][None, :])


def _final(q, y2, dinv, wmu, bmu, wls, bls):
    n, d = y2.shape
    dout = wmu.shape[1]
    blk = _blk(n)
    return pl.pallas_call(
        _final_body,
        grid=(n // blk,),
        in_specs=[pl.BlockSpec((NC, blk, d), lambda i: (0, i, 0)),
                  pl.BlockSpec((blk, d), lambda i: (i, 0)),
                  pl.BlockSpec((blk, 1), lambda i: (i, 0)),
                  pl.BlockSpec((d, dout), lambda i: (0, 0)),
                  pl.BlockSpec((dout,), lambda i: (0,)),
                  pl.BlockSpec((d, dout), lambda i: (0, 0)),
                  pl.BlockSpec((dout,), lambda i: (0,))],
        out_specs=[pl.BlockSpec((blk, dout), lambda i: (i, 0)),
                   pl.BlockSpec((blk, dout), lambda i: (i, 0))],
        out_shape=[jax.ShapeDtypeStruct((n, dout), jnp.float32),
                   jax.ShapeDtypeStruct((n, dout), jnp.float32)],
    )(q, y2, dinv, wmu, bmu, wls, bls)



def kernel(x, edge_index, W1, b1, Wmu, bmu, Wls, bls):
    n, d = x.shape
    e = edge_index.shape[1]
    ept = e // NW
    nch = ept // CH
    assert ept * NW == e and nch * CH == ept and ept % 16 == 0

    np_ = -(-n // 128) * 128

    srcs = edge_index[0].reshape(NW, nch, CH)
    dsts = edge_index[1].reshape(NW, nch, CH)
    dstf = edge_index[1].reshape(NW, ept)
    zeros_nd = jnp.zeros((np_, d), jnp.float32)
    zeros_n = jnp.zeros((np_,), jnp.float32)

    cnt = _make_deg(np_, e)(dstf, zeros_n)
    dinv, y1 = _pre(cnt.T, x, W1)
    p = _make_prop(n, np_, d, e)(y1, srcs, dsts, zeros_nd)
    y2 = _mid(p, y1, dinv, b1)
    q = _make_prop(n, np_, d, e)(y2, srcs, dsts, zeros_nd)
    return _final(q, y2, dinv, Wmu, bmu, Wls, bls)

# --- scband reference (transcript-rebuilt; emitter-appended) ---
"""Pipeline reference for scband-encoder-91173565759766 (READ-ONLY COPY).

The authoritative reference and input builder live on the scoring server;
editing this copy changes nothing except your own understanding.
"""

import jax, jax.numpy as jnp
import numpy as np

N = 10000
E = 320000
IN, HID, OUT = 128, 128, 64


def setup_inputs(seed: int = 0) -> dict:
    key = jax.random.key(seed)
    ks = jax.random.split(key, 8)
    x = jax.random.normal(ks[0], (N, IN), dtype=jnp.float32)
    edge_index = jax.random.randint(ks[1], (2, E), 0, N, dtype=jnp.int32)
    W1 = jax.random.normal(ks[2], (IN, HID), dtype=jnp.float32) * (1.0 / np.sqrt(IN))
    b1 = jnp.zeros((HID,), dtype=jnp.float32)
    Wmu = jax.random.normal(ks[3], (HID, OUT), dtype=jnp.float32) * (1.0 / np.sqrt(HID))
    bmu = jnp.zeros((OUT,), dtype=jnp.float32)
    Wls = jax.random.normal(ks[4], (HID, OUT), dtype=jnp.float32) * (1.0 / np.sqrt(HID))
    bls = jnp.zeros((OUT,), dtype=jnp.float32)
    return {"x": x, "edge_index": edge_index, "W1": W1, "b1": b1, "Wmu": Wmu, "bmu": bmu, "Wls": Wls, "bls": bls}


def _gcn_conv(x, W, b, src, dst, dinv):
    # PyG GCNConv: linear transform, then D^{-1/2} A_hat D^{-1/2} propagation, then bias
    h = x @ W
    norm = (dinv[src] * dinv[dst])[:, None]
    msg = h[src] * norm
    agg = jax.ops.segment_sum(msg, dst, num_segments=N)
    return agg + b


def reference(x, edge_index, W1, b1, Wmu, bmu, Wls, bls):
    loop = jnp.arange(N, dtype=edge_index.dtype)
    src = jnp.concatenate([edge_index[0], loop])
    dst = jnp.concatenate([edge_index[1], loop])
    deg = jax.ops.segment_sum(jnp.ones(src.shape[0], dtype=jnp.float32), dst, num_segments=N)
    dinv = jnp.where(deg > 0, jax.lax.rsqrt(deg), 0.0)
    h = jax.nn.relu(_gcn_conv(x, W1, b1, src, dst, dinv))
    mu = _gcn_conv(h, Wmu, bmu, src, dst, dinv)
    logstd = _gcn_conv(h, Wls, bls, src, dst, dinv)
    return (mu, logstd)

if __name__ == "__main__":
    import jax
    _d = setup_inputs()
    print(jax.jit(kernel)(*tuple(_d.values())))

</pallas_src>

<mosaic_0001>
#map = affine_map<(d0, d1) -> (0, 0)>
#map1 = affine_map<(d0, d1) -> (0)>
module attributes {stable_mosaic.version = 14 : i64} {
  func.func @deg(%arg0: i32, %arg1: i32, %arg2: memref<32x10000xi32, #tpu.memory_space<hbm>>, %arg3: memref<10112xf32, #tpu.memory_space<hbm>>, %arg4: memref<32x10112xf32, #tpu.memory_space<hbm>>, %arg5: memref<10000xi32, #tpu.memory_space<vmem>>, %arg6: memref<10112xf32, #tpu.memory_space<vmem>>) attributes {dimension_semantics = [#tpu.dimension_semantics<core_parallel>, #tpu.dimension_semantics<subcore_parallel>], iteration_bounds = array<i64: 2, 16>, scalar_prefetch = 0 : i64, scratch_operands = 2 : i64, tpu.core_type = #tpu.core_type<sc_vector_subcore>, window_params = [{transform_indices = #map}, {transform_indices = #map1}, {transform_indices = #map}]} {
    %mul3A = arith.constant 16 : i32
    %mul3A_0 = arith.muli %arg0, %mul3A : i32
    %add3A = arith.addi %mul3A_0, %arg1 : i32
    "tpu.region"() ({
      %run_scoped3A = tpu.sem_alloc : memref<!tpu.dma_semaphore, #tpu.memory_space<semaphore_mem>>
      %dma_start3A = arith.constant 0 : i32
      %dma_start3A_7 = tpu.memref_slice %arg2[%add3A, %dma_start3A] : memref<32x10000xi32, #tpu.memory_space<hbm>> -> memref<1x10000xi32, #tpu.memory_space<hbm>>
      %dma_start3A_8 = tpu.memref_squeeze %dma_start3A_7 : memref<1x10000xi32, #tpu.memory_space<hbm>> -> memref<10000xi32, #tpu.memory_space<hbm>>
      %dma_start3A_9 = arith.constant 0 : i32
      %dma_start3A_10 = tpu.memref_slice %arg2[%add3A, %dma_start3A_9] : memref<32x10000xi32, #tpu.memory_space<hbm>> -> memref<1x10000xi32, #tpu.memory_space<hbm>>
      %dma_start3A_11 = tpu.memref_squeeze %dma_start3A_10 : memref<1x10000xi32, #tpu.memory_space<hbm>> -> memref<10000xi32, #tpu.memory_space<hbm>>
      tpu.enqueue_dma source(%dma_start3A_11 : memref<10000xi32, #tpu.memory_space<hbm>>) target(%arg5 : memref<10000xi32, #tpu.memory_space<vmem>>) target_semaphore(%run_scoped3A : memref<!tpu.dma_semaphore, #tpu.memory_space<semaphore_mem>>)
      %dma_wait3A = arith.constant 0 : i32
      %dma_wait3A_12 = tpu.memref_slice %arg2[%add3A, %dma_wait3A] : memref<32x10000xi32, #tpu.memory_space<hbm>> -> memref<1x10000xi32, #tpu.memory_space<hbm>>
      %dma_wait3A_13 = tpu.memref_squeeze %dma_wait3A_12 : memref<1x10000xi32, #tpu.memory_space<hbm>> -> memref<10000xi32, #tpu.memory_space<hbm>>
      %dma_wait3A_14 = arith.constant 0 : i32
      %dma_wait3A_15 = tpu.memref_slice %arg2[%add3A, %dma_wait3A_14] : memref<32x10000xi32, #tpu.memory_space<hbm>> -> memref<1x10000xi32, #tpu.memory_space<hbm>>
      %dma_wait3A_16 = tpu.memref_squeeze %dma_wait3A_15 : memref<1x10000xi32, #tpu.memory_space<hbm>> -> memref<10000xi32, #tpu.memory_space<hbm>>
      tpu.wait_dma2 semaphore(%run_scoped3A : memref<!tpu.dma_semaphore, #tpu.memory_space<semaphore_mem>>) src(%dma_wait3A_16 : memref<10000xi32, #tpu.memory_space<hbm>>) dst(%arg5 : memref<10000xi32, #tpu.memory_space<vmem>>)
      tpu.yield
    }) : () -> ()
    "tpu.region"() ({
      %run_scoped3A = tpu.sem_alloc : memref<!tpu.dma_semaphore, #tpu.memory_space<semaphore_mem>>
      tpu.enqueue_dma source(%arg3 : memref<10112xf32, #tpu.memory_space<hbm>>) target(%arg6 : memref<10112xf32, #tpu.memory_space<vmem>>) target_semaphore(%run_scoped3A : memref<!tpu.dma_semaphore, #tpu.memory_space<semaphore_mem>>)
      tpu.wait_dma2 semaphore(%run_scoped3A : memref<!tpu.dma_semaphore, #tpu.memory_space<semaphore_mem>>) src(%arg3 : memref<10112xf32, #tpu.memory_space<hbm>>) dst(%arg6 : memref<10112xf32, #tpu.memory_space<vmem>>)
      tpu.yield
    }) : () -> ()
    %broadcast_in_dim3A = arith.constant 1.000000e+00 : f32
    %broadcast_in_dim3A_1 = vector.broadcast %broadcast_in_dim3A : f32 to vector<16xf32>
    %scan3A = arith.constant 0 : i32
    %scan3A_2 = arith.constant 0 : i32
    %scan3A_3 = arith.constant 625 : i32
    %scan3A_4 = arith.addi %scan3A_2, %scan3A_3 : i32
    %scan3A_5 = arith.constant 1 : i32
    scf.for %scan3A_7 = %scan3A_2 to %scan3A_4 step %scan3A_5  : i32 {
      %mul3A_8 = arith.constant 16 : i32
      %mul3A_9 = arith.muli %scan3A_7, %mul3A_8 : i32
      %get3A = arith.index_cast %mul3A_9 : i32 to index
      %get3A_10 = tpu.vector_load %arg5[%get3A] {strides = array<i32>} : memref<10000xi32, #tpu.memory_space<vmem>>, vector<16xi32>,
      tpu.vector_store_idx %arg6[%get3A_10], %broadcast_in_dim3A_1 {add = true} : memref<10112xf32, #tpu.memory_space<vmem>>[vector<16xi32>], vector<16xf32>,
    }
    %scan3A_6 = arith.constant 625 : i32
    "tpu.region"() ({
      %run_scoped3A = tpu.sem_alloc : memref<!tpu.dma_semaphore, #tpu.memory_space<semaphore_mem>>
      %dma_start3A = arith.constant 0 : i32
      %dma_start3A_7 = tpu.memref_slice %arg4[%add3A, %dma_start3A] : memref<32x10112xf32, #tpu.memory_space<hbm>> -> memref<1x10112xf32, #tpu.memory_space<hbm>>
      %dma_start3A_8 = tpu.memref_squeeze %dma_start3A_7 : memref<1x10112xf32, #tpu.memory_space<hbm>> -> memref<10112xf32, #tpu.memory_space<hbm>>
      %dma_start3A_9 = arith.constant 0 : i32
      %dma_start3A_10 = tpu.memref_slice %arg4[%add3A, %dma_start3A_9] : memref<32x10112xf32, #tpu.memory_space<hbm>> -> memref<1x10112xf32, #tpu.memory_space<hbm>>
      %dma_start3A_11 = tpu.memref_squeeze %dma_start3A_10 : memref<1x10112xf32, #tpu.memory_space<hbm>> -> memref<10112xf32, #tpu.memory_space<hbm>>
      tpu.enqueue_dma source(%arg6 : memref<10112xf32, #tpu.memory_space<vmem>>) target(%dma_start3A_11 : memref<10112xf32, #tpu.memory_space<hbm>>) target_semaphore(%run_scoped3A : memref<!tpu.dma_semaphore, #tpu.memory_space<semaphore_mem>>)
      %dma_wait3A = arith.constant 0 : i32
      %dma_wait3A_12 = tpu.memref_slice %arg4[%add3A, %dma_wait3A] : memref<32x10112xf32, #tpu.memory_space<hbm>> -> memref<1x10112xf32, #tpu.memory_space<hbm>>
      %dma_wait3A_13 = tpu.memref_squeeze %dma_wait3A_12 : memref<1x10112xf32, #tpu.memory_space<hbm>> -> memref<10112xf32, #tpu.memory_space<hbm>>
      %dma_wait3A_14 = arith.constant 0 : i32
      %dma_wait3A_15 = tpu.memref_slice %arg4[%add3A, %dma_wait3A_14] : memref<32x10112xf32, #tpu.memory_space<hbm>> -> memref<1x10112xf32, #tpu.memory_space<hbm>>
      %dma_wait3A_16 = tpu.memref_squeeze %dma_wait3A_15 : memref<1x10112xf32, #tpu.memory_space<hbm>> -> memref<10112xf32, #tpu.memory_space<hbm>>
      tpu.wait_dma2 semaphore(%run_scoped3A : memref<!tpu.dma_semaphore, #tpu.memory_space<semaphore_mem>>) src(%arg6 : memref<10112xf32, #tpu.memory_space<vmem>>) dst(%dma_wait3A_16 : memref<10112xf32, #tpu.memory_space<hbm>>)
      tpu.yield
    }) : () -> ()
    return
  }
}

#map = affine_map<(d0, d1) -> (0, 0)>
#map1 = affine_map<(d0, d1) -> (0, 0, 0)>
module attributes {stable_mosaic.version = 14 : i64} {
  func.func @prop(%arg0: i32, %arg1: i32, %arg2: memref<10000x128xf32, #tpu.memory_space<hbm>>, %arg3: memref<32x100x100xi32, #tpu.memory_space<hbm>>, %arg4: memref<32x100x100xi32, #tpu.memory_space<hbm>>, %arg5: memref<10112x128xf32, #tpu.memory_space<hbm>>, %arg6: memref<2x10112x128xf32, #tpu.memory_space<hbm>>, %arg7: memref<100x100xi32, #tpu.memory_space<vmem>>, %arg8: memref<100x100xi32, #tpu.memory_space<vmem>>, %arg9: memref<100x128xf32, #tpu.memory_space<vmem>>, %arg10: memref<10112x128xf32, #tpu.memory_space<vmem_shared>>, %arg11: memref<!tpu.dma_semaphore, #tpu.memory_space<semaphore_mem>>) attributes {dimension_semantics = [#tpu.dimension_semantics<core_parallel>, #tpu.dimension_semantics<subcore_parallel>], iteration_bounds = array<i64: 2, 16>, scalar_prefetch = 0 : i64, scratch_operands = 5 : i64, tpu.core_type = #tpu.core_type<sc_vector_subcore>, window_params = [{transform_indices = #map}, {transform_indices = #map1}, {transform_indices = #map1}, {transform_indices = #map}, {transform_indices = #map1}]} {
    %mul3A = arith.constant 16 : i32
    %mul3A_0 = arith.muli %arg0, %mul3A : i32
    %add3A = arith.addi %mul3A_0, %arg1 : i32
    "tpu.region"() ({
      %run_scoped3A = tpu.sem_alloc : memref<!tpu.dma_semaphore, #tpu.memory_space<semaphore_mem>>
      %dma_start3A = arith.constant 0 : i32
      %dma_start3A_9 = arith.constant 0 : i32
      %dma_start3A_10 = tpu.memref_slice %arg3[%add3A, %dma_start3A, %dma_start3A_9] : memref<32x100x100xi32, #tpu.memory_space<hbm>> -> memref<1x100x100xi32, #tpu.memory_space<hbm>>
      %dma_start3A_11 = tpu.memref_squeeze %dma_start3A_10 : memref<1x100x100xi32, #tpu.memory_space<hbm>> -> memref<100x100xi32, #tpu.memory_space<hbm>>
      %dma_start3A_12 = arith.constant 0 : i32
      %dma_start3A_13 = arith.constant 0 : i32
      %dma_start3A_14 = tpu.memref_slice %arg3[%add3A, %dma_start3A_12, %dma_start3A_13] : memref<32x100x100xi32, #tpu.memory_space<hbm>> -> memref<1x100x100xi32, #tpu.memory_space<hbm>>
      %dma_start3A_15 = tpu.memref_squeeze %dma_start3A_14 : memref<1x100x100xi32, #tpu.memory_space<hbm>> -> memref<100x100xi32, #tpu.memory_space<hbm>>
      tpu.enqueue_dma source(%dma_start3A_15 : memref<100x100xi32, #tpu.memory_space<hbm>>) target(%arg7 : memref<100x100xi32, #tpu.memory_space<vmem>>) target_semaphore(%run_scoped3A : memref<!tpu.dma_semaphore, #tpu.memory_space<semaphore_mem>>)
      %dma_wait3A = arith.constant 0 : i32
      %dma_wait3A_16 = arith.constant 0 : i32
      %dma_wait3A_17 = tpu.memref_slice %arg3[%add3A, %dma_wait3A, %dma_wait3A_16] : memref<32x100x100xi32, #tpu.memory_space<hbm>> -> memref<1x100x100xi32, #tpu.memory_space<hbm>>
      %dma_wait3A_18 = tpu.memref_squeeze %dma_wait3A_17 : memref<1x100x100xi32, #tpu.memory_space<hbm>> -> memref<100x100xi32, #tpu.memory_space<hbm>>
      %dma_wait3A_19 = arith.constant 0 : i32
      %dma_wait3A_20 = arith.constant 0 : i32
      %dma_wait3A_21 = tpu.memref_slice %arg3[%add3A, %dma_wait3A_19, %dma_wait3A_20] : memref<32x100x100xi32, #tpu.memory_space<hbm>> -> memref<1x100x100xi32, #tpu.memory_space<hbm>>
      %dma_wait3A_22 = tpu.memref_squeeze %dma_wait3A_21 : memref<1x100x100xi32, #tpu.memory_space<hbm>> -> memref<100x100xi32, #tpu.memory_space<hbm>>
      tpu.wait_dma2 semaphore(%run_scoped3A : memref<!tpu.dma_semaphore, #tpu.memory_space<semaphore_mem>>) src(%dma_wait3A_22 : memref<100x100xi32, #tpu.memory_space<hbm>>) dst(%arg7 : memref<100x100xi32, #tpu.memory_space<vmem>>)
      tpu.yield
    }) : () -> ()
    "tpu.region"() ({
      %run_scoped3A = tpu.sem_alloc : memref<!tpu.dma_semaphore, #tpu.memory_space<semaphore_mem>>
      %dma_start3A = arith.constant 0 : i32
      %dma_start3A_9 = arith.constant 0 : i32
      %dma_start3A_10 = tpu.memref_slice %arg4[%add3A, %dma_start3A, %dma_start3A_9] : memref<32x100x100xi32, #tpu.memory_space<hbm>> -> memref<1x100x100xi32, #tpu.memory_space<hbm>>
      %dma_start3A_11 = tpu.memref_squeeze %dma_start3A_10 : memref<1x100x100xi32, #tpu.memory_space<hbm>> -> memref<100x100xi32, #tpu.memory_space<hbm>>
      %dma_start3A_12 = arith.constant 0 : i32
      %dma_start3A_13 = arith.constant 0 : i32
      %dma_start3A_14 = tpu.memref_slice %arg4[%add3A, %dma_start3A_12, %dma_start3A_13] : memref<32x100x100xi32, #tpu.memory_space<hbm>> -> memref<1x100x100xi32, #tpu.memory_space<hbm>>
      %dma_start3A_15 = tpu.memref_squeeze %dma_start3A_14 : memref<1x100x100xi32, #tpu.memory_space<hbm>> -> memref<100x100xi32, #tpu.memory_space<hbm>>
      tpu.enqueue_dma source(%dma_start3A_15 : memref<100x100xi32, #tpu.memory_space<hbm>>) target(%arg8 : memref<100x100xi32, #tpu.memory_space<vmem>>) target_semaphore(%run_scoped3A : memref<!tpu.dma_semaphore, #tpu.memory_space<semaphore_mem>>)
      %dma_wait3A = arith.constant 0 : i32
      %dma_wait3A_16 = arith.constant 0 : i32
      %dma_wait3A_17 = tpu.memref_slice %arg4[%add3A, %dma_wait3A, %dma_wait3A_16] : memref<32x100x100xi32, #tpu.memory_space<hbm>> -> memref<1x100x100xi32, #tpu.memory_space<hbm>>
      %dma_wait3A_18 = tpu.memref_squeeze %dma_wait3A_17 : memref<1x100x100xi32, #tpu.memory_space<hbm>> -> memref<100x100xi32, #tpu.memory_space<hbm>>
      %dma_wait3A_19 = arith.constant 0 : i32
      %dma_wait3A_20 = arith.constant 0 : i32
      %dma_wait3A_21 = tpu.memref_slice %arg4[%add3A, %dma_wait3A_19, %dma_wait3A_20] : memref<32x100x100xi32, #tpu.memory_space<hbm>> -> memref<1x100x100xi32, #tpu.memory_space<hbm>>
      %dma_wait3A_22 = tpu.memref_squeeze %dma_wait3A_21 : memref<1x100x100xi32, #tpu.memory_space<hbm>> -> memref<100x100xi32, #tpu.memory_space<hbm>>
      tpu.wait_dma2 semaphore(%run_scoped3A : memref<!tpu.dma_semaphore, #tpu.memory_space<semaphore_mem>>) src(%dma_wait3A_22 : memref<100x100xi32, #tpu.memory_space<hbm>>) dst(%arg8 : memref<100x100xi32, #tpu.memory_space<vmem>>)
      tpu.yield
    }) : () -> ()
    %mul3A_1 = arith.constant 632 : i32
    %mul3A_2 = arith.muli %arg1, %mul3A_1 : i32
    "tpu.region"() ({
      %run_scoped3A = tpu.sem_alloc : memref<!tpu.dma_semaphore, #tpu.memory_space<semaphore_mem>>
      %dma_start3A = arith.constant 0 : i32
      %dma_start3A_9 = tpu.memref_slice %arg10[%mul3A_2, %dma_start3A] : memref<10112x128xf32, #tpu.memory_space<vmem_shared>> -> memref<632x128xf32, #tpu.memory_space<vmem_shared>>
      %dma_start3A_10 = arith.constant 0 : i32
      %dma_start3A_11 = tpu.memref_slice %arg5[%mul3A_2, %dma_start3A_10] : memref<10112x128xf32, #tpu.memory_space<hbm>> -> memref<632x128xf32, #tpu.memory_space<hbm>>
      tpu.enqueue_dma source(%dma_start3A_11 : memref<632x128xf32, #tpu.memory_space<hbm>>) target(%dma_start3A_9 : memref<632x128xf32, #tpu.memory_space<vmem_shared>>) target_semaphore(%run_scoped3A : memref<!tpu.dma_semaphore, #tpu.memory_space<semaphore_mem>>)
      %dma_wait3A = arith.constant 0 : i32
      %dma_wait3A_12 = tpu.memref_slice %arg10[%mul3A_2, %dma_wait3A] : memref<10112x128xf32, #tpu.memory_space<vmem_shared>> -> memref<632x128xf32, #tpu.memory_space<vmem_shared>>
      %dma_wait3A_13 = arith.constant 0 : i32
      %dma_wait3A_14 = tpu.memref_slice %arg5[%mul3A_2, %dma_wait3A_13] : memref<10112x128xf32, #tpu.memory_space<hbm>> -> memref<632x128xf32, #tpu.memory_space<hbm>>
      tpu.wait_dma2 semaphore(%run_scoped3A : memref<!tpu.dma_semaphore, #tpu.memory_space<semaphore_mem>>) src(%dma_wait3A_14 : memref<632x128xf32, #tpu.memory_space<hbm>>) dst(%dma_wait3A_12 : memref<632x128xf32, #tpu.memory_space<vmem_shared>>)
      tpu.yield
    }) : () -> ()
    %barrier3A = arith.constant 0 : index
    tpu.barrier barrier_id(%barrier3A)
    %scan3A = arith.constant 0 : i32
    %scan3A_3 = arith.constant 0 : i32
    %scan3A_4 = arith.constant 100 : i32
    %scan3A_5 = arith.addi %scan3A_3, %scan3A_4 : i32
    %scan3A_6 = arith.constant 1 : i32
    scf.for %scan3A_9 = %scan3A_3 to %scan3A_5 step %scan3A_6  : i32 {
      %dma_start3A = arith.constant 0 : i32
      %dma_start3A_10 = tpu.memref_slice %arg7[%scan3A_9, %dma_start3A] : memref<100x100xi32, #tpu.memory_space<vmem>> -> memref<1x100xi32, #tpu.memory_space<vmem>>
      %dma_start3A_11 = tpu.memref_squeeze %dma_start3A_10 : memref<1x100xi32, #tpu.memory_space<vmem>> -> memref<100xi32, #tpu.memory_space<vmem>>
      %dma_start3A_12 = arith.constant 0 : i32
      %dma_start3A_13 = arith.constant 0 : i32
      %dma_start3A_14 = tpu.memref_slice %arg2[%dma_start3A_12, %dma_start3A_13] : memref<10000x128xf32, #tpu.memory_space<hbm>> -> memref<10000x128xf32, #tpu.memory_space<hbm>>
      tpu.enqueue_indirect_dma source(%dma_start3A_14 : memref<10000x128xf32, #tpu.memory_space<hbm>>) target(%arg9 : memref<100x128xf32, #tpu.memory_space<vmem>>) offsets(%dma_start3A_11 : memref<100xi32, #tpu.memory_space<vmem>>) semaphore(%arg11 : memref<!tpu.dma_semaphore, #tpu.memory_space<semaphore_mem>>)
      %dma_wait3A = arith.constant 0 : i32
      %dma_wait3A_15 = tpu.memref_slice %arg7[%scan3A_9, %dma_wait3A] : memref<100x100xi32, #tpu.memory_space<vmem>> -> memref<1x100xi32, #tpu.memory_space<vmem>>
      %dma_wait3A_16 = tpu.memref_squeeze %dma_wait3A_15 : memref<1x100xi32, #tpu.memory_space<vmem>> -> memref<100xi32, #tpu.memory_space<vmem>>
      %dma_wait3A_17 = arith.constant 0 : i32
      %dma_wait3A_18 = arith.constant 0 : i32
      %dma_wait3A_19 = tpu.memref_slice %arg2[%dma_wait3A_17, %dma_wait3A_18] : memref<10000x128xf32, #tpu.memory_space<hbm>> -> memref<10000x128xf32, #tpu.memory_space<hbm>>
      tpu.wait_indirect_dma semaphore(%arg11 : memref<!tpu.dma_semaphore, #tpu.memory_space<semaphore_mem>>) src(%dma_wait3A_19 : memref<10000x128xf32, #tpu.memory_space<hbm>>) dst(%arg9 : memref<100x128xf32, #tpu.memory_space<vmem>>)
      "tpu.region"() ({
        %run_scoped3A = tpu.sem_alloc : memref<!tpu.dma_semaphore, #tpu.memory_space<semaphore_mem>>
        %dma_start3A_20 = arith.constant 0 : i32
        %dma_start3A_21 = tpu.memref_slice %arg8[%scan3A_9, %dma_start3A_20] : memref<100x100xi32, #tpu.memory_space<vmem>> -> memref<1x100xi32, #tpu.memory_space<vmem>>
        %dma_start3A_22 = tpu.memref_squeeze %dma_start3A_21 : memref<1x100xi32, #tpu.memory_space<vmem>> -> memref<100xi32, #tpu.memory_space<vmem>>
        %dma_start3A_23 = arith.constant 0 : i32
        %dma_start3A_24 = arith.constant 0 : i32
        %dma_start3A_25 = tpu.memref_slice %arg10[%dma_start3A_23, %dma_start3A_24] : memref<10112x128xf32, #tpu.memory_space<vmem_shared>> -> memref<10112x128xf32, #tpu.memory_space<vmem_shared>>
        tpu.enqueue_indirect_dma source(%arg9 : memref<100x128xf32, #tpu.memory_space<vmem>>) target(%dma_start3A_25 : memref<10112x128xf32, #tpu.memory_space<vmem_shared>>) offsets(%dma_start3A_22 : memref<100xi32, #tpu.memory_space<vmem>>) semaphore(%run_scoped3A : memref<!tpu.dma_semaphore, #tpu.memory_space<semaphore_mem>>) {add = true}
        %dma_wait3A_26 = arith.constant 0 : i32
        %dma_wait3A_27 = tpu.memref_slice %arg8[%scan3A_9, %dma_wait3A_26] : memref<100x100xi32, #tpu.memory_space<vmem>> -> memref<1x100xi32, #tpu.memory_space<vmem>>
        %dma_wait3A_28 = tpu.memref_squeeze %dma_wait3A_27 : memref<1x100xi32, #tpu.memory_space<vmem>> -> memref<100xi32, #tpu.memory_space<vmem>>
        %dma_wait3A_29 = arith.constant 0 : i32
        %dma_wait3A_30 = arith.constant 0 : i32
        %dma_wait3A_31 = tpu.memref_slice %arg10[%dma_wait3A_29, %dma_wait3A_30] : memref<10112x128xf32, #tpu.memory_space<vmem_shared>> -> memref<10112x128xf32, #tpu.memory_space<vmem_shared>>
        tpu.wait_indirect_dma semaphore(%run_scoped3A : memref<!tpu.dma_semaphore, #tpu.memory_space<semaphore_mem>>) src(%arg9 : memref<100x128xf32, #tpu.memory_space<vmem>>) dst(%dma_wait3A_31 : memref<10112x128xf32, #tpu.memory_space<vmem_shared>>)
        tpu.yield
      }) : () -> ()
    }
    %scan3A_7 = arith.constant 100 : i32
    %barrier3A_8 = arith.constant 0 : index
    tpu.barrier barrier_id(%barrier3A_8)
    "tpu.region"() ({
      %run_scoped3A = tpu.sem_alloc : memref<!tpu.dma_semaphore, #tpu.memory_space<semaphore_mem>>
      %dma_start3A = arith.constant 0 : i32
      %dma_start3A_9 = tpu.memref_slice %arg6[%arg0, %mul3A_2, %dma_start3A] : memref<2x10112x128xf32, #tpu.memory_space<hbm>> -> memref<1x632x128xf32, #tpu.memory_space<hbm>>
      %dma_start3A_10 = tpu.memref_squeeze %dma_start3A_9 : memref<1x632x128xf32, #tpu.memory_space<hbm>> -> memref<632x128xf32, #tpu.memory_space<hbm>>
      %dma_start3A_11 = arith.constant 0 : i32
      %dma_start3A_12 = tpu.memref_slice %arg10[%mul3A_2, %dma_start3A_11] : memref<10112x128xf32, #tpu.memory_space<vmem_shared>> -> memref<632x128xf32, #tpu.memory_space<vmem_shared>>
      tpu.enqueue_dma source(%dma_start3A_12 : memref<632x128xf32, #tpu.memory_space<vmem_shared>>) target(%dma_start3A_10 : memref<632x128xf32, #tpu.memory_space<hbm>>) target_semaphore(%run_scoped3A : memref<!tpu.dma_semaphore, #tpu.memory_space<semaphore_mem>>)
      %dma_wait3A = arith.constant 0 : i32
      %dma_wait3A_13 = tpu.memref_slice %arg6[%arg0, %mul3A_2, %dma_wait3A] : memref<2x10112x128xf32, #tpu.memory_space<hbm>> -> memref<1x632x128xf32, #tpu.memory_space<hbm>>
      %dma_wait3A_14 = tpu.memref_squeeze %dma_wait3A_13 : memref<1x632x128xf32, #tpu.memory_space<hbm>> -> memref<632x128xf32, #tpu.memory_space<hbm>>
      %dma_wait3A_15 = arith.constant 0 : i32
      %dma_wait3A_16 = tpu.memref_slice %arg10[%mul3A_2, %dma_wait3A_15] : memref<10112x128xf32, #tpu.memory_space<vmem_shared>> -> memref<632x128xf32, #tpu.memory_space<vmem_shared>>
      tpu.wait_dma2 semaphore(%run_scoped3A : memref<!tpu.dma_semaphore, #tpu.memory_space<semaphore_mem>>) src(%dma_wait3A_16 : memref<632x128xf32, #tpu.memory_space<vmem_shared>>) dst(%dma_wait3A_14 : memref<632x128xf32, #tpu.memory_space<hbm>>)
      tpu.yield
    }) : () -> ()
    return
  }
}

#map = affine_map<(d0, d1) -> (0, 0)>
#map1 = affine_map<(d0, d1) -> (0, 0, 0)>
module attributes {stable_mosaic.version = 14 : i64} {
  func.func @prop(%arg0: i32, %arg1: i32, %arg2: memref<10000x128xf32, #tpu.memory_space<hbm>>, %arg3: memref<32x100x100xi32, #tpu.memory_space<hbm>>, %arg4: memref<32x100x100xi32, #tpu.memory_space<hbm>>, %arg5: memref<10112x128xf32, #tpu.memory_space<hbm>>, %arg6: memref<2x10112x128xf32, #tpu.memory_space<hbm>>, %arg7: memref<100x100xi32, #tpu.memory_space<vmem>>, %arg8: memref<100x100xi32, #tpu.memory_space<vmem>>, %arg9: memref<100x128xf32, #tpu.memory_space<vmem>>, %arg10: memref<10112x128xf32, #tpu.memory_space<vmem_shared>>, %arg11: memref<!tpu.dma_semaphore, #tpu.memory_space<semaphore_mem>>) attributes {dimension_semantics = [#tpu.dimension_semantics<core_parallel>, #tpu.dimension_semantics<subcore_parallel>], iteration_bounds = array<i64: 2, 16>, scalar_prefetch = 0 : i64, scratch_operands = 5 : i64, tpu.core_type = #tpu.core_type<sc_vector_subcore>, window_params = [{transform_indices = #map}, {transform_indices = #map1}, {transform_indices = #map1}, {transform_indices = #map}, {transform_indices = #map1}]} {
    %mul3A = arith.constant 16 : i32
    %mul3A_0 = arith.muli %arg0, %mul3A : i32
    %add3A = arith.addi %mul3A_0, %arg1 : i32
    "tpu.region"() ({
      %run_scoped3A = tpu.sem_alloc : memref<!tpu.dma_semaphore, #tpu.memory_space<semaphore_mem>>
      %dma_start3A = arith.constant 0 : i32
      %dma_start3A_9 = arith.constant 0 : i32
      %dma_start3A_10 = tpu.memref_slice %arg3[%add3A, %dma_start3A, %dma_start3A_9] : memref<32x100x100xi32, #tpu.memory_space<hbm>> -> memref<1x100x100xi32, #tpu.memory_space<hbm>>
      %dma_start3A_11 = tpu.memref_squeeze %dma_start3A_10 : memref<1x100x100xi32, #tpu.memory_space<hbm>> -> memref<100x100xi32, #tpu.memory_space<hbm>>
      %dma_start3A_12 = arith.constant 0 : i32
      %dma_start3A_13 = arith.constant 0 : i32
      %dma_start3A_14 = tpu.memref_slice %arg3[%add3A, %dma_start3A_12, %dma_start3A_13] : memref<32x100x100xi32, #tpu.memory_space<hbm>> -> memref<1x100x100xi32, #tpu.memory_space<hbm>>
      %dma_start3A_15 = tpu.memref_squeeze %dma_start3A_14 : memref<1x100x100xi32, #tpu.memory_space<hbm>> -> memref<100x100xi32, #tpu.memory_space<hbm>>
      tpu.enqueue_dma source(%dma_start3A_15 : memref<100x100xi32, #tpu.memory_space<hbm>>) target(%arg7 : memref<100x100xi32, #tpu.memory_space<vmem>>) target_semaphore(%run_scoped3A : memref<!tpu.dma_semaphore, #tpu.memory_space<semaphore_mem>>)
      %dma_wait3A = arith.constant 0 : i32
      %dma_wait3A_16 = arith.constant 0 : i32
      %dma_wait3A_17 = tpu.memref_slice %arg3[%add3A, %dma_wait3A, %dma_wait3A_16] : memref<32x100x100xi32, #tpu.memory_space<hbm>> -> memref<1x100x100xi32, #tpu.memory_space<hbm>>
      %dma_wait3A_18 = tpu.memref_squeeze %dma_wait3A_17 : memref<1x100x100xi32, #tpu.memory_space<hbm>> -> memref<100x100xi32, #tpu.memory_space<hbm>>
      %dma_wait3A_19 = arith.constant 0 : i32
      %dma_wait3A_20 = arith.constant 0 : i32
      %dma_wait3A_21 = tpu.memref_slice %arg3[%add3A, %dma_wait3A_19, %dma_wait3A_20] : memref<32x100x100xi32, #tpu.memory_space<hbm>> -> memref<1x100x100xi32, #tpu.memory_space<hbm>>
      %dma_wait3A_22 = tpu.memref_squeeze %dma_wait3A_21 : memref<1x100x100xi32, #tpu.memory_space<hbm>> -> memref<100x100xi32, #tpu.memory_space<hbm>>
      tpu.wait_dma2 semaphore(%run_scoped3A : memref<!tpu.dma_semaphore, #tpu.memory_space<semaphore_mem>>) src(%dma_wait3A_22 : memref<100x100xi32, #tpu.memory_space<hbm>>) dst(%arg7 : memref<100x100xi32, #tpu.memory_space<vmem>>)
      tpu.yield
    }) : () -> ()
    "tpu.region"() ({
      %run_scoped3A = tpu.sem_alloc : memref<!tpu.dma_semaphore, #tpu.memory_space<semaphore_mem>>
      %dma_start3A = arith.constant 0 : i32
      %dma_start3A_9 = arith.constant 0 : i32
      %dma_start3A_10 = tpu.memref_slice %arg4[%add3A, %dma_start3A, %dma_start3A_9] : memref<32x100x100xi32, #tpu.memory_space<hbm>> -> memref<1x100x100xi32, #tpu.memory_space<hbm>>
      %dma_start3A_11 = tpu.memref_squeeze %dma_start3A_10 : memref<1x100x100xi32, #tpu.memory_space<hbm>> -> memref<100x100xi32, #tpu.memory_space<hbm>>
      %dma_start3A_12 = arith.constant 0 : i32
      %dma_start3A_13 = arith.constant 0 : i32
      %dma_start3A_14 = tpu.memref_slice %arg4[%add3A, %dma_start3A_12, %dma_start3A_13] : memref<32x100x100xi32, #tpu.memory_space<hbm>> -> memref<1x100x100xi32, #tpu.memory_space<hbm>>
      %dma_start3A_15 = tpu.memref_squeeze %dma_start3A_14 : memref<1x100x100xi32, #tpu.memory_space<hbm>> -> memref<100x100xi32, #tpu.memory_space<hbm>>
      tpu.enqueue_dma source(%dma_start3A_15 : memref<100x100xi32, #tpu.memory_space<hbm>>) target(%arg8 : memref<100x100xi32, #tpu.memory_space<vmem>>) target_semaphore(%run_scoped3A : memref<!tpu.dma_semaphore, #tpu.memory_space<semaphore_mem>>)
      %dma_wait3A = arith.constant 0 : i32
      %dma_wait3A_16 = arith.constant 0 : i32
      %dma_wait3A_17 = tpu.memref_slice %arg4[%add3A, %dma_wait3A, %dma_wait3A_16] : memref<32x100x100xi32, #tpu.memory_space<hbm>> -> memref<1x100x100xi32, #tpu.memory_space<hbm>>
      %dma_wait3A_18 = tpu.memref_squeeze %dma_wait3A_17 : memref<1x100x100xi32, #tpu.memory_space<hbm>> -> memref<100x100xi32, #tpu.memory_space<hbm>>
      %dma_wait3A_19 = arith.constant 0 : i32
      %dma_wait3A_20 = arith.constant 0 : i32
      %dma_wait3A_21 = tpu.memref_slice %arg4[%add3A, %dma_wait3A_19, %dma_wait3A_20] : memref<32x100x100xi32, #tpu.memory_space<hbm>> -> memref<1x100x100xi32, #tpu.memory_space<hbm>>
      %dma_wait3A_22 = tpu.memref_squeeze %dma_wait3A_21 : memref<1x100x100xi32, #tpu.memory_space<hbm>> -> memref<100x100xi32, #tpu.memory_space<hbm>>
      tpu.wait_dma2 semaphore(%run_scoped3A : memref<!tpu.dma_semaphore, #tpu.memory_space<semaphore_mem>>) src(%dma_wait3A_22 : memref<100x100xi32, #tpu.memory_space<hbm>>) dst(%arg8 : memref<100x100xi32, #tpu.memory_space<vmem>>)
      tpu.yield
    }) : () -> ()
    %mul3A_1 = arith.constant 632 : i32
    %mul3A_2 = arith.muli %arg1, %mul3A_1 : i32
    "tpu.region"() ({
      %run_scoped3A = tpu.sem_alloc : memref<!tpu.dma_semaphore, #tpu.memory_space<semaphore_mem>>
      %dma_start3A = arith.constant 0 : i32
      %dma_start3A_9 = tpu.memref_slice %arg10[%mul3A_2, %dma_start3A] : memref<10112x128xf32, #tpu.memory_space<vmem_shared>> -> memref<632x128xf32, #tpu.memory_space<vmem_shared>>
      %dma_start3A_10 = arith.constant 0 : i32
      %dma_start3A_11 = tpu.memref_slice %arg5[%mul3A_2, %dma_start3A_10] : memref<10112x128xf32, #tpu.memory_space<hbm>> -> memref<632x128xf32, #tpu.memory_space<hbm>>
      tpu.enqueue_dma source(%dma_start3A_11 : memref<632x128xf32, #tpu.memory_space<hbm>>) target(%dma_start3A_9 : memref<632x128xf32, #tpu.memory_space<vmem_shared>>) target_semaphore(%run_scoped3A : memref<!tpu.dma_semaphore, #tpu.memory_space<semaphore_mem>>)
      %dma_wait3A = arith.constant 0 : i32
      %dma_wait3A_12 = tpu.memref_slice %arg10[%mul3A_2, %dma_wait3A] : memref<10112x128xf32, #tpu.memory_space<vmem_shared>> -> memref<632x128xf32, #tpu.memory_space<vmem_shared>>
      %dma_wait3A_13 = arith.constant 0 : i32
      %dma_wait3A_14 = tpu.memref_slice %arg5[%mul3A_2, %dma_wait3A_13] : memref<10112x128xf32, #tpu.memory_space<hbm>> -> memref<632x128xf32, #tpu.memory_space<hbm>>
      tpu.wait_dma2 semaphore(%run_scoped3A : memref<!tpu.dma_semaphore, #tpu.memory_space<semaphore_mem>>) src(%dma_wait3A_14 : memref<632x128xf32, #tpu.memory_space<hbm>>) dst(%dma_wait3A_12 : memref<632x128xf32, #tpu.memory_space<vmem_shared>>)
      tpu.yield
    }) : () -> ()
    %barrier3A = arith.constant 0 : index
    tpu.barrier barrier_id(%barrier3A)
    %scan3A = arith.constant 0 : i32
    %scan3A_3 = arith.constant 0 : i32
    %scan3A_4 = arith.constant 100 : i32
    %scan3A_5 = arith.addi %scan3A_3, %scan3A_4 : i32
    %scan3A_6 = arith.constant 1 : i32
    scf.for %scan3A_9 = %scan3A_3 to %scan3A_5 step %scan3A_6  : i32 {
      %dma_start3A = arith.constant 0 : i32
      %dma_start3A_10 = tpu.memref_slice %arg7[%scan3A_9, %dma_start3A] : memref<100x100xi32, #tpu.memory_space<vmem>> -> memref<1x100xi32, #tpu.memory_space<vmem>>
      %dma_start3A_11 = tpu.memref_squeeze %dma_start3A_10 : memref<1x100xi32, #tpu.memory_space<vmem>> -> memref<100xi32, #tpu.memory_space<vmem>>
      %dma_start3A_12 = arith.constant 0 : i32
      %dma_start3A_13 = arith.constant 0 : i32
      %dma_start3A_14 = tpu.memref_slice %arg2[%dma_start3A_12, %dma_start3A_13] : memref<10000x128xf32, #tpu.memory_space<hbm>> -> memref<10000x128xf32, #tpu.memory_space<hbm>>
      tpu.enqueue_indirect_dma source(%dma_start3A_14 : memref<10000x128xf32, #tpu.memory_space<hbm>>) target(%arg9 : memref<100x128xf32, #tpu.memory_space<vmem>>) offsets(%dma_start3A_11 : memref<100xi32, #tpu.memory_space<vmem>>) semaphore(%arg11 : memref<!tpu.dma_semaphore, #tpu.memory_space<semaphore_mem>>)
      %dma_wait3A = arith.constant 0 : i32
      %dma_wait3A_15 = tpu.memref_slice %arg7[%scan3A_9, %dma_wait3A] : memref<100x100xi32, #tpu.memory_space<vmem>> -> memref<1x100xi32, #tpu.memory_space<vmem>>
      %dma_wait3A_16 = tpu.memref_squeeze %dma_wait3A_15 : memref<1x100xi32, #tpu.memory_space<vmem>> -> memref<100xi32, #tpu.memory_space<vmem>>
      %dma_wait3A_17 = arith.constant 0 : i32
      %dma_wait3A_18 = arith.constant 0 : i32
      %dma_wait3A_19 = tpu.memref_slice %arg2[%dma_wait3A_17, %dma_wait3A_18] : memref<10000x128xf32, #tpu.memory_space<hbm>> -> memref<10000x128xf32, #tpu.memory_space<hbm>>
      tpu.wait_indirect_dma semaphore(%arg11 : memref<!tpu.dma_semaphore, #tpu.memory_space<semaphore_mem>>) src(%dma_wait3A_19 : memref<10000x128xf32, #tpu.memory_space<hbm>>) dst(%arg9 : memref<100x128xf32, #tpu.memory_space<vmem>>)
      "tpu.region"() ({
        %run_scoped3A = tpu.sem_alloc : memref<!tpu.dma_semaphore, #tpu.memory_space<semaphore_mem>>
        %dma_start3A_20 = arith.constant 0 : i32
        %dma_start3A_21 = tpu.memref_slice %arg8[%scan3A_9, %dma_start3A_20] : memref<100x100xi32, #tpu.memory_space<vmem>> -> memref<1x100xi32, #tpu.memory_space<vmem>>
        %dma_start3A_22 = tpu.memref_squeeze %dma_start3A_21 : memref<1x100xi32, #tpu.memory_space<vmem>> -> memref<100xi32, #tpu.memory_space<vmem>>
        %dma_start3A_23 = arith.constant 0 : i32
        %dma_start3A_24 = arith.constant 0 : i32
        %dma_start3A_25 = tpu.memref_slice %arg10[%dma_start3A_23, %dma_start3A_24] : memref<10112x128xf32, #tpu.memory_space<vmem_shared>> -> memref<10112x128xf32, #tpu.memory_space<vmem_shared>>
        tpu.enqueue_indirect_dma source(%arg9 : memref<100x128xf32, #tpu.memory_space<vmem>>) target(%dma_start3A_25 : memref<10112x128xf32, #tpu.memory_space<vmem_shared>>) offsets(%dma_start3A_22 : memref<100xi32, #tpu.memory_space<vmem>>) semaphore(%run_scoped3A : memref<!tpu.dma_semaphore, #tpu.memory_space<semaphore_mem>>) {add = true}
        %dma_wait3A_26 = arith.constant 0 : i32
        %dma_wait3A_27 = tpu.memref_slice %arg8[%scan3A_9, %dma_wait3A_26] : memref<100x100xi32, #tpu.memory_space<vmem>> -> memref<1x100xi32, #tpu.memory_space<vmem>>
        %dma_wait3A_28 = tpu.memref_squeeze %dma_wait3A_27 : memref<1x100xi32, #tpu.memory_space<vmem>> -> memref<100xi32, #tpu.memory_space<vmem>>
        %dma_wait3A_29 = arith.constant 0 : i32
        %dma_wait3A_30 = arith.constant 0 : i32
        %dma_wait3A_31 = tpu.memref_slice %arg10[%dma_wait3A_29, %dma_wait3A_30] : memref<10112x128xf32, #tpu.memory_space<vmem_shared>> -> memref<10112x128xf32, #tpu.memory_space<vmem_shared>>
        tpu.wait_indirect_dma semaphore(%run_scoped3A : memref<!tpu.dma_semaphore, #tpu.memory_space<semaphore_mem>>) src(%arg9 : memref<100x128xf32, #tpu.memory_space<vmem>>) dst(%dma_wait3A_31 : memref<10112x128xf32, #tpu.memory_space<vmem_shared>>)
        tpu.yield
      }) : () -> ()
    }
    %scan3A_7 = arith.constant 100 : i32
    %barrier3A_8 = arith.constant 0 : index
    tpu.barrier barrier_id(%barrier3A_8)
    "tpu.region"() ({
      %run_scoped3A = tpu.sem_alloc : memref<!tpu.dma_semaphore, #tpu.memory_space<semaphore_mem>>
      %dma_start3A = arith.constant 0 : i32
      %dma_start3A_9 = tpu.memref_slice %arg6[%arg0, %mul3A_2, %dma_start3A] : memref<2x10112x128xf32, #tpu.memory_space<hbm>> -> memref<1x632x128xf32, #tpu.memory_space<hbm>>
      %dma_start3A_10 = tpu.memref_squeeze %dma_start3A_9 : memref<1x632x128xf32, #tpu.memory_space<hbm>> -> memref<632x128xf32, #tpu.memory_space<hbm>>
      %dma_start3A_11 = arith.constant 0 : i32
      %dma_start3A_12 = tpu.memref_slice %arg10[%mul3A_2, %dma_start3A_11] : memref<10112x128xf32, #tpu.memory_space<vmem_shared>> -> memref<632x128xf32, #tpu.memory_space<vmem_shared>>
      tpu.enqueue_dma source(%dma_start3A_12 : memref<632x128xf32, #tpu.memory_space<vmem_shared>>) target(%dma_start3A_10 : memref<632x128xf32, #tpu.memory_space<hbm>>) target_semaphore(%run_scoped3A : memref<!tpu.dma_semaphore, #tpu.memory_space<semaphore_mem>>)
      %dma_wait3A = arith.constant 0 : i32
      %dma_wait3A_13 = tpu.memref_slice %arg6[%arg0, %mul3A_2, %dma_wait3A] : memref<2x10112x128xf32, #tpu.memory_space<hbm>> -> memref<1x632x128xf32, #tpu.memory_space<hbm>>
      %dma_wait3A_14 = tpu.memref_squeeze %dma_wait3A_13 : memref<1x632x128xf32, #tpu.memory_space<hbm>> -> memref<632x128xf32, #tpu.memory_space<hbm>>
      %dma_wait3A_15 = arith.constant 0 : i32
      %dma_wait3A_16 = tpu.memref_slice %arg10[%mul3A_2, %dma_wait3A_15] : memref<10112x128xf32, #tpu.memory_space<vmem_shared>> -> memref<632x128xf32, #tpu.memory_space<vmem_shared>>
      tpu.wait_dma2 semaphore(%run_scoped3A : memref<!tpu.dma_semaphore, #tpu.memory_space<semaphore_mem>>) src(%dma_wait3A_16 : memref<632x128xf32, #tpu.memory_space<vmem_shared>>) dst(%dma_wait3A_14 : memref<632x128xf32, #tpu.memory_space<hbm>>)
      tpu.yield
    }) : () -> ()
    return
  }
}

module attributes {stable_mosaic.version = 14 : i64} {
  func.func @_pre_body(%arg0: i32, %arg1: memref<2000x32xf32, #tpu.memory_space<vmem>>, %arg2: memref<2000x128xf32, #tpu.memory_space<vmem>>, %arg3: memref<128x128xf32, #tpu.memory_space<vmem>>, %arg4: memref<2000x1xf32, #tpu.memory_space<vmem>>, %arg5: memref<2000x128xf32, #tpu.memory_space<vmem>>) attributes {dimension_semantics = [#tpu.dimension_semantics<arbitrary>], iteration_bounds = array<i64: 5>, scalar_prefetch = 0 : i64, scratch_operands = 0 : i64, tpu.core_type = #tpu.core_type<tc>, window_params = [{transform_indices = @transform_0, window_bounds = array<i64: 2000, 32>}, {transform_indices = @transform_1, window_bounds = array<i64: 2000, 128>}, {pipeline_mode = #tpu.pipeline_mode<synchronous>, transform_indices = @transform_2, window_bounds = array<i64: 128, 128>}, {transform_indices = @transform_3, window_bounds = array<i64: 2000, 1>}, {transform_indices = @transform_4, window_bounds = array<i64: 2000, 128>}]} {
    %get3A = arith.constant 0 : index
    %get3A_0 = arith.constant 0 : index
    %get3A_1 = vector.load %arg1[%get3A, %get3A_0] : memref<2000x32xf32, #tpu.memory_space<vmem>>, vector<2000x32xf32>
    %reduce_sum3A = arith.constant dense<0.000000e+00> : vector<2000xf32>
    %reduce_sum3A_2 = vector.multi_reduction <add>, %get3A_1, %reduce_sum3A [1] : vector<2000x32xf32> to vector<2000xf32>
    %add3A = arith.constant 1.000000e+00 : f32
    %add3A_3 = vector.broadcast %add3A : f32 to vector<2000xf32>
    %add3A_4 = arith.addf %add3A_3, %reduce_sum3A_2 : vector<2000xf32>
    %rsqrt3A = math.rsqrt %add3A_4 : vector<2000xf32>
    %broadcast_in_dim3A = vector.shape_cast %rsqrt3A : vector<2000xf32> to vector<2000x1xf32>
    %swap3A = arith.constant 0 : index
    %swap3A_5 = arith.constant 0 : index
    %swap3A_6 = vector.load %arg4[%swap3A, %swap3A_5] : memref<2000x1xf32, #tpu.memory_space<vmem>>, vector<2000x1xf32>
    tpu.vector_store %arg4[%swap3A, %swap3A_5], %broadcast_in_dim3A {strides = array<i32>} : memref<2000x1xf32, #tpu.memory_space<vmem>>, vector<2000x1xf32>,
    %get3A_7 = arith.constant 0 : index
    %get3A_8 = arith.constant 0 : index
    %get3A_9 = vector.load %arg2[%get3A_7, %get3A_8] : memref<2000x128xf32, #tpu.memory_space<vmem>>, vector<2000x128xf32>
    %get3A_10 = arith.constant 0 : index
    %get3A_11 = arith.constant 0 : index
    %get3A_12 = vector.load %arg3[%get3A_10, %get3A_11] : memref<128x128xf32, #tpu.memory_space<vmem>>, vector<128x128xf32>
    %dot_general3A = arith.constant dense<0.000000e+00> : vector<2000x128xf32>
    %dot_general3A_13 = tpu.matmul %get3A_9, %get3A_12, %dot_general3A {dimension_numbers = #tpu.dot_dimension_numbers<[1], [0], [0], [1], [0, 0, 1, 1], [], []>, transpose_lhs_hint = false} : vector<2000x128xf32>, vector<128x128xf32>, vector<2000x128xf32> -> vector<2000x128xf32>
    %mul3A = vector.broadcast %broadcast_in_dim3A : vector<2000x1xf32> to vector<2000x128xf32>
    %mul3A_14 = arith.mulf %dot_general3A_13, %mul3A : vector<2000x128xf32>
    %swap3A_15 = arith.constant 0 : index
    %swap3A_16 = arith.constant 0 : index
    %swap3A_17 = vector.load %arg5[%swap3A_15, %swap3A_16] : memref<2000x128xf32, #tpu.memory_space<vmem>>, vector<2000x128xf32>
    tpu.vector_store %arg5[%swap3A_15, %swap3A_16], %mul3A_14 {strides = array<i32>} : memref<2000x128xf32, #tpu.memory_space<vmem>>, vector<2000x128xf32>,
    return
  }
  func.func @transform_0(%arg0: i32) -> (i32, i32) {
    %c0_i32 = arith.constant 0 : i32
    %c0_i32_0 = arith.constant 0 : i32
    return %arg0, %c0_i32 : i32, i32
  }
  func.func @transform_1(%arg0: i32) -> (i32, i32) {
    %c0_i32 = arith.constant 0 : i32
    %c0_i32_0 = arith.constant 0 : i32
    return %arg0, %c0_i32 : i32, i32
  }
  func.func @transform_2(%arg0: i32) -> (i32, i32) {
    %c0_i32 = arith.constant 0 : i32
    %c0_i32_0 = arith.constant 0 : i32
    %c0_i32_1 = arith.constant 0 : i32
    return %c0_i32, %c0_i32_0 : i32, i32
  }
  func.func @transform_3(%arg0: i32) -> (i32, i32) {
    %c0_i32 = arith.constant 0 : i32
    %c0_i32_0 = arith.constant 0 : i32
    return %arg0, %c0_i32 : i32, i32
  }
  func.func @transform_4(%arg0: i32) -> (i32, i32) {
    %c0_i32 = arith.constant 0 : i32
    %c0_i32_0 = arith.constant 0 : i32
    return %arg0, %c0_i32 : i32, i32
  }
}

module attributes {stable_mosaic.version = 14 : i64} {
  func.func @_mid_body(%arg0: i32, %arg1: memref<2x2000x128xf32, #tpu.memory_space<vmem>>, %arg2: memref<2000x128xf32, #tpu.memory_space<vmem>>, %arg3: memref<2000x1xf32, #tpu.memory_space<vmem>>, %arg4: memref<128xf32, #tpu.memory_space<vmem>>, %arg5: memref<2000x128xf32, #tpu.memory_space<vmem>>) attributes {dimension_semantics = [#tpu.dimension_semantics<arbitrary>], iteration_bounds = array<i64: 5>, scalar_prefetch = 0 : i64, scratch_operands = 0 : i64, tpu.core_type = #tpu.core_type<tc>, window_params = [{transform_indices = @transform_0, window_bounds = array<i64: 2, 2000, 128>}, {transform_indices = @transform_1, window_bounds = array<i64: 2000, 128>}, {transform_indices = @transform_2, window_bounds = array<i64: 2000, 1>}, {pipeline_mode = #tpu.pipeline_mode<synchronous>, transform_indices = @transform_3, window_bounds = array<i64: 128>}, {transform_indices = @transform_4, window_bounds = array<i64: 2000, 128>}]} {
    %get3A = arith.constant 0 : index
    %get3A_0 = arith.constant 0 : index
    %get3A_1 = vector.load %arg3[%get3A, %get3A_0] : memref<2000x1xf32, #tpu.memory_space<vmem>>, vector<2000x1xf32>
    %get3A_2 = arith.constant 0 : index
    %get3A_3 = arith.constant 0 : index
    %get3A_4 = arith.constant 0 : index
    %get3A_5 = vector.load %arg1[%get3A_2, %get3A_3, %get3A_4] : memref<2x2000x128xf32, #tpu.memory_space<vmem>>, vector<1x2000x128xf32>
    %get3A_6 = vector.shape_cast %get3A_5 : vector<1x2000x128xf32> to vector<2000x128xf32>
    %get3A_7 = arith.constant 1 : index
    %get3A_8 = arith.constant 0 : index
    %get3A_9 = arith.constant 0 : index
    %get3A_10 = vector.load %arg1[%get3A_7, %get3A_8, %get3A_9] : memref<2x2000x128xf32, #tpu.memory_space<vmem>>, vector<1x2000x128xf32>
    %get3A_11 = vector.shape_cast %get3A_10 : vector<1x2000x128xf32> to vector<2000x128xf32>
    %add3A = arith.addf %get3A_6, %get3A_11 : vector<2000x128xf32>
    %get3A_12 = arith.constant 0 : index
    %get3A_13 = arith.constant 0 : index
    %get3A_14 = vector.load %arg2[%get3A_12, %get3A_13] : memref<2000x128xf32, #tpu.memory_space<vmem>>, vector<2000x128xf32>
    %add3A_15 = arith.addf %add3A, %get3A_14 : vector<2000x128xf32>
    %mul3A = vector.broadcast %get3A_1 : vector<2000x1xf32> to vector<2000x128xf32>
    %mul3A_16 = arith.mulf %mul3A, %add3A_15 : vector<2000x128xf32>
    %get3A_17 = arith.constant 0 : index
    %get3A_18 = vector.load %arg4[%get3A_17] : memref<128xf32, #tpu.memory_space<vmem>>, vector<128xf32>
    %broadcast_in_dim3A = vector.shape_cast %get3A_18 : vector<128xf32> to vector<1x128xf32>
    %add3A_19 = vector.broadcast %broadcast_in_dim3A : vector<1x128xf32> to vector<2000x128xf32>
    %add3A_20 = arith.addf %mul3A_16, %add3A_19 : vector<2000x128xf32>
    %max3A = arith.constant 0.000000e+00 : f32
    %max3A_21 = vector.broadcast %max3A : f32 to vector<2000x128xf32>
    %max3A_22 = arith.maximumf %add3A_20, %max3A_21 : vector<2000x128xf32>
    %mul3A_23 = vector.broadcast %get3A_1 : vector<2000x1xf32> to vector<2000x128xf32>
    %mul3A_24 = arith.mulf %mul3A_23, %max3A_22 : vector<2000x128xf32>
    %swap3A = arith.constant 0 : index
    %swap3A_25 = arith.constant 0 : index
    %swap3A_26 = vector.load %arg5[%swap3A, %swap3A_25] : memref<2000x128xf32, #tpu.memory_space<vmem>>, vector<2000x128xf32>
    tpu.vector_store %arg5[%swap3A, %swap3A_25], %mul3A_24 {strides = array<i32>} : memref<2000x128xf32, #tpu.memory_space<vmem>>, vector<2000x128xf32>,
    return
  }
  func.func @transform_0(%arg0: i32) -> (i32, i32, i32) {
    %c0_i32 = arith.constant 0 : i32
    %c0_i32_0 = arith.constant 0 : i32
    %c0_i32_1 = arith.constant 0 : i32
    return %c0_i32, %arg0, %c0_i32_0 : i32, i32, i32
  }
  func.func @transform_1(%arg0: i32) -> (i32, i32) {
    %c0_i32 = arith.constant 0 : i32
    %c0_i32_0 = arith.constant 0 : i32
    return %arg0, %c0_i32 : i32, i32
  }
  func.func @transform_2(%arg0: i32) -> (i32, i32) {
    %c0_i32 = arith.constant 0 : i32
    %c0_i32_0 = arith.constant 0 : i32
    return %arg0, %c0_i32 : i32, i32
  }
  func.func @transform_3(%arg0: i32) -> i32 {
    %c0_i32 = arith.constant 0 : i32
    %c0_i32_0 = arith.constant 0 : i32
    return %c0_i32 : i32
  }
  func.func @transform_4(%arg0: i32) -> (i32, i32) {
    %c0_i32 = arith.constant 0 : i32
    %c0_i32_0 = arith.constant 0 : i32
    return %arg0, %c0_i32 : i32, i32
  }
}

module attributes {stable_mosaic.version = 14 : i64} {
  func.func @_final_body(%arg0: i32, %arg1: memref<2x2000x128xf32, #tpu.memory_space<vmem>>, %arg2: memref<2000x128xf32, #tpu.memory_space<vmem>>, %arg3: memref<2000x1xf32, #tpu.memory_space<vmem>>, %arg4: memref<128x64xf32, #tpu.memory_space<vmem>>, %arg5: memref<64xf32, #tpu.memory_space<vmem>>, %arg6: memref<128x64xf32, #tpu.memory_space<vmem>>, %arg7: memref<64xf32, #tpu.memory_space<vmem>>, %arg8: memref<2000x64xf32, #tpu.memory_space<vmem>>, %arg9: memref<2000x64xf32, #tpu.memory_space<vmem>>) attributes {dimension_semantics = [#tpu.dimension_semantics<arbitrary>], iteration_bounds = array<i64: 5>, scalar_prefetch = 0 : i64, scratch_operands = 0 : i64, tpu.core_type = #tpu.core_type<tc>, window_params = [{transform_indices = @transform_0, window_bounds = array<i64: 2, 2000, 128>}, {transform_indices = @transform_1, window_bounds = array<i64: 2000, 128>}, {transform_indices = @transform_2, window_bounds = array<i64: 2000, 1>}, {pipeline_mode = #tpu.pipeline_mode<synchronous>, transform_indices = @transform_3, window_bounds = array<i64: 128, 64>}, {pipeline_mode = #tpu.pipeline_mode<synchronous>, transform_indices = @transform_4, window_bounds = array<i64: 64>}, {pipeline_mode = #tpu.pipeline_mode<synchronous>, transform_indices = @transform_5, window_bounds = array<i64: 128, 64>}, {pipeline_mode = #tpu.pipeline_mode<synchronous>, transform_indices = @transform_6, window_bounds = array<i64: 64>}, {transform_indices = @transform_7, window_bounds = array<i64: 2000, 64>}, {transform_indices = @transform_8, window_bounds = array<i64: 2000, 64>}]} {
    %get3A = arith.constant 0 : index
    %get3A_0 = arith.constant 0 : index
    %get3A_1 = vector.load %arg3[%get3A, %get3A_0] : memref<2000x1xf32, #tpu.memory_space<vmem>>, vector<2000x1xf32>
    %get3A_2 = arith.constant 0 : index
    %get3A_3 = arith.constant 0 : index
    %get3A_4 = arith.constant 0 : index
    %get3A_5 = vector.load %arg1[%get3A_2, %get3A_3, %get3A_4] : memref<2x2000x128xf32, #tpu.memory_space<vmem>>, vector<1x2000x128xf32>
    %get3A_6 = vector.shape_cast %get3A_5 : vector<1x2000x128xf32> to vector<2000x128xf32>
    %get3A_7 = arith.constant 1 : index
    %get3A_8 = arith.constant 0 : index
    %get3A_9 = arith.constant 0 : index
    %get3A_10 = vector.load %arg1[%get3A_7, %get3A_8, %get3A_9] : memref<2x2000x128xf32, #tpu.memory_space<vmem>>, vector<1x2000x128xf32>
    %get3A_11 = vector.shape_cast %get3A_10 : vector<1x2000x128xf32> to vector<2000x128xf32>
    %add3A = arith.addf %get3A_6, %get3A_11 : vector<2000x128xf32>
    %get3A_12 = arith.constant 0 : index
    %get3A_13 = arith.constant 0 : index
    %get3A_14 = vector.load %arg2[%get3A_12, %get3A_13] : memref<2000x128xf32, #tpu.memory_space<vmem>>, vector<2000x128xf32>
    %add3A_15 = arith.addf %add3A, %get3A_14 : vector<2000x128xf32>
    %mul3A = vector.broadcast %get3A_1 : vector<2000x1xf32> to vector<2000x128xf32>
    %mul3A_16 = arith.mulf %mul3A, %add3A_15 : vector<2000x128xf32>
    %get3A_17 = arith.constant 0 : index
    %get3A_18 = arith.constant 0 : index
    %get3A_19 = vector.load %arg4[%get3A_17, %get3A_18] : memref<128x64xf32, #tpu.memory_space<vmem>>, vector<128x64xf32>
    %dot_general3A = arith.constant dense<0.000000e+00> : vector<2000x64xf32>
    %dot_general3A_20 = tpu.matmul %mul3A_16, %get3A_19, %dot_general3A {dimension_numbers = #tpu.dot_dimension_numbers<[1], [0], [0], [1], [0, 0, 1, 1], [], []>, transpose_lhs_hint = false} : vector<2000x128xf32>, vector<128x64xf32>, vector<2000x64xf32> -> vector<2000x64xf32>
    %get3A_21 = arith.constant 0 : index
    %get3A_22 = vector.load %arg5[%get3A_21] : memref<64xf32, #tpu.memory_space<vmem>>, vector<64xf32>
    %broadcast_in_dim3A = vector.shape_cast %get3A_22 : vector<64xf32> to vector<1x64xf32>
    %add3A_23 = vector.broadcast %broadcast_in_dim3A : vector<1x64xf32> to vector<2000x64xf32>
    %add3A_24 = arith.addf %dot_general3A_20, %add3A_23 : vector<2000x64xf32>
    %swap3A = arith.constant 0 : index
    %swap3A_25 = arith.constant 0 : index
    %swap3A_26 = vector.load %arg8[%swap3A, %swap3A_25] : memref<2000x64xf32, #tpu.memory_space<vmem>>, vector<2000x64xf32>
    tpu.vector_store %arg8[%swap3A, %swap3A_25], %add3A_24 {strides = array<i32>} : memref<2000x64xf32, #tpu.memory_space<vmem>>, vector<2000x64xf32>,
    %get3A_27 = arith.constant 0 : index
    %get3A_28 = arith.constant 0 : index
    %get3A_29 = vector.load %arg6[%get3A_27, %get3A_28] : memref<128x64xf32, #tpu.memory_space<vmem>>, vector<128x64xf32>
    %dot_general3A_30 = arith.constant dense<0.000000e+00> : vector<2000x64xf32>
    %dot_general3A_31 = tpu.matmul %mul3A_16, %get3A_29, %dot_general3A_30 {dimension_numbers = #tpu.dot_dimension_numbers<[1], [0], [0], [1], [0, 0, 1, 1], [], []>, transpose_lhs_hint = false} : vector<2000x128xf32>, vector<128x64xf32>, vector<2000x64xf32> -> vector<2000x64xf32>
    %get3A_32 = arith.constant 0 : index
    %get3A_33 = vector.load %arg7[%get3A_32] : memref<64xf32, #tpu.memory_space<vmem>>, vector<64xf32>
    %broadcast_in_dim3A_34 = vector.shape_cast %get3A_33 : vector<64xf32> to vector<1x64xf32>
    %add3A_35 = vector.broadcast %broadcast_in_dim3A_34 : vector<1x64xf32> to vector<2000x64xf32>
    %add3A_36 = arith.addf %dot_general3A_31, %add3A_35 : vector<2000x64xf32>
    %swap3A_37 = arith.constant 0 : index
    %swap3A_38 = arith.constant 0 : index
    %swap3A_39 = vector.load %arg9[%swap3A_37, %swap3A_38] : memref<2000x64xf32, #tpu.memory_space<vmem>>, vector<2000x64xf32>
    tpu.vector_store %arg9[%swap3A_37, %swap3A_38], %add3A_36 {strides = array<i32>} : memref<2000x64xf32, #tpu.memory_space<vmem>>, vector<2000x64xf32>,
    return
  }
  func.func @transform_0(%arg0: i32) -> (i32, i32, i32) {
    %c0_i32 = arith.constant 0 : i32
    %c0_i32_0 = arith.constant 0 : i32
    %c0_i32_1 = arith.constant 0 : i32
    return %c0_i32, %arg0, %c0_i32_0 : i32, i32, i32
  }
  func.func @transform_1(%arg0: i32) -> (i32, i32) {
    %c0_i32 = arith.constant 0 : i32
    %c0_i32_0 = arith.constant 0 : i32
    return %arg0, %c0_i32 : i32, i32
  }
  func.func @transform_2(%arg0: i32) -> (i32, i32) {
    %c0_i32 = arith.constant 0 : i32
    %c0_i32_0 = arith.constant 0 : i32
    return %arg0, %c0_i32 : i32, i32
  }
  func.func @transform_3(%arg0: i32) -> (i32, i32) {
    %c0_i32 = arith.constant 0 : i32
    %c0_i32_0 = arith.constant 0 : i32
    %c0_i32_1 = arith.constant 0 : i32
    return %c0_i32, %c0_i32_0 : i32, i32
  }
  func.func @transform_4(%arg0: i32) -> i32 {
    %c0_i32 = arith.constant 0 : i32
    %c0_i32_0 = arith.constant 0 : i32
    return %c0_i32 : i32
  }
  func.func @transform_5(%arg0: i32) -> (i32, i32) {
    %c0_i32 = arith.constant 0 : i32
    %c0_i32_0 = arith.constant 0 : i32
    %c0_i32_1 = arith.constant 0 : i32
    return %c0_i32, %c0_i32_0 : i32, i32
  }
  func.func @transform_6(%arg0: i32) -> i32 {
    %c0_i32 = arith.constant 0 : i32
    %c0_i32_0 = arith.constant 0 : i32
    return %c0_i32 : i32
  }
  func.func @transform_7(%arg0: i32) -> (i32, i32) {
    %c0_i32 = arith.constant 0 : i32
    %c0_i32_0 = arith.constant 0 : i32
    return %arg0, %c0_i32 : i32, i32
  }
  func.func @transform_8(%arg0: i32) -> (i32, i32) {
    %c0_i32 = arith.constant 0 : i32
    %c0_i32_0 = arith.constant 0 : i32
    return %arg0, %c0_i32 : i32, i32
  }
}

</mosaic_0001>

<sc_bundles>
// kernel: kernel.11.cloned.1.call-start
scs
__scs_entry_jumppad:
0x0: {  	(pc) =	sbr.rel $0x88, $3  }
0x1: {  	(tag) =	ssettag $0x0;
	lr =	simm.s32 $0x1  }
0x2: {  	[smem:$0x3F99] =	sst lr;
	_ =	strace $0xD0000000  }
0x3: {  	_ = 	snop  }
0x4: {  	_ = 	snop  }
0x5: {  	_ = 	snop  }
0x6: {  	_ = 	snop  }
0x7: {  	_ = 	snop  }
__scs_overlays_trampoline_lowered:
0x8: {  	[smem:$0x3FA8] =	sst s0  }
0x9: {  	[smem:$0x3FA9] =	sst s1  }
0xa: {  	[smem:$0x3FAA] =	sst s2  }
0xb: {  	[smem:$0x3FAB] =	sst s3  }
0xc: {  	[smem:$0x3FAC] =	sst s4  }
0xd: {  	[smem:$0x3FAD] =	sst s5  }
0xe: {  	[smem:$0x3FAE] =	sst s6  }
0xf: {  	[smem:$0x3FAF] =	sst s7  }
0x10: {  	[smem:$0x3FB0] =	sst s8  }
0x11: {  	[smem:$0x3FB1] =	sst s9;
	s0 =	simm.s32 @!p0 $0x0  }
0x12: {  	s1 =	sld [smem:$0x3F97];
	s0 =	simm.s32 @p0 $0x1  }
0x13: {  	[smem:$0x3FB2] =	sst s0;
	s0 =	simm.s32 @!p1 $0x0  }
0x14: {  	s2 =	sld [smem:$0x3F96];
	s0 =	simm.s32 @p1 $0x1  }
0x15: {  	[smem:$0x3FB3] =	sst s0;
	s0 =	simm.s32 @!p2 $0x0  }
0x16: {  	s3 =	sld [smem:$0x3FDB];
	s0 =	simm.s32 @p2 $0x1  }
0x17: {  	s4 =	simm.s32 $0x1BF5;
	[smem:$0x3FB5] =	sst s0  }
0x18: {  	s0 =	sld [smem:$0x3F98];
	_ =	swait.ge [sflag:s4], $0x0  }
0x19: {  	s7 =	sld [smem:$0x3F99]  }
0x1a: {  	s8 =	sadd.s32 $0xFFFFE003, lr  }
0x1b: {  	s9 =	sadd.s32 $0xFFFFFEF7, lr;
	s5 =	simm.s32 $0xFFFFFFFF;
	p2 =	slt.u32 s8, $0xFFFFF086  }
0x1c: {  	p1 =	slt.u32 s9, $0xF7A;
	s5 =	simm.s32 @!p2 $0x0  }
0x1d: {  	s5 =	simm.s32 @p1 $0x1;
	p0 =	seq.s32 s7, s2  }
0x1e: {  	s7 =	smul.u32 @!p0 $0xF7A, s2;
	p2 =	seq.s32 @!p0 s5, $0x0  }
0x1f: {  	s9 =	smul.u32 $0xF7A, s1;
	s8 =	simm.s32 @!p0 $0x1BF5;
	p2 =	por !p2, p0  }
0x20: {  	[sflag:s8] =	ssyncset.s32 @!p0 $0xFFFFF086;
	s6 =	sadd.s32 @!p0 s3, s7;
	s7 =	simm.s32 @!p0 $0x108  }
0x21: {  	s3 =	sadd.s32 s3, s9;
	s6 =	sadd.s32 @!p0 $0x88, s6;
	s7 =	simm.s32 @p2 $0x1082  }
0x22: {  	[simem:s7], [sflag:s8] =	dma.local @!p0 [hbm:s6], $0xF7A  }
0x23: {  	s9 =	sor.u32 $0xD0000000, s2;
	s6 =	simm.s32 $0x108;
	_ =	swait.ge @!p0 [sflag:s8], $0x0  }
0x24: {  	s3 =	sadd.s32 $0x88, s3;
	s6 =	simm.s32 @!p1 $0x1082;
	[sflag:s4] =	ssyncset.s32 $0xFFFFF086  }
0x25: {  	[simem:s6], [sflag:s4] =	dma.local [hbm:s3], $0xF7A  }
0x26: {  	[smem:$0x3F99] =	sst s1;
	(tag) =	ssettag s2;
	_ =	strace s9  }
0x27: {  	s1 =	sld [smem:$0x3FA9]  }
0x28: {  	s2 =	sld [smem:$0x3FAA]  }
0x29: {  	s4 =	sld [smem:$0x3FAC]  }
0x2a: {  	p0 =	seq.s32 s5, $0x0;
	s5 =	sld [smem:$0x3FAD]  }
0x2b: {  	s6 =	sld [smem:$0x3FAE]  }
0x2c: {  	s7 =	sld [smem:$0x3FAF]  }
0x2d: {  	s3 =	simm.s32 $0x108;
	s8 =	sld [smem:$0x3FB0]  }
0x2e: {  	s3 =	simm.s32 @!p0 $0x1082;
	s9 =	sld [smem:$0x3FB1]  }
0x2f: {  	lr =	sadd.s32 s0, s3;
	s0 =	sld [smem:$0x3FA8]  }
0x30: {  	s3 =	sld [smem:$0x3FAB]  }
0x31: {  	[smem:$0x3FB4] =	sst s10  }
0x32: {  	s10 =	sld [smem:$0x3FB2];
	_ =	sdelay $0x3  }
0x33: {  	p0 =	seq.s32 s10, $0x1;
	s10 =	sld [smem:$0x3FB4];
	_ =	sdelay $0x3  }
0x34: {  	[smem:$0x3FB4] =	sst s10  }
0x35: {  	s10 =	sld [smem:$0x3FB3];
	_ =	sdelay $0x3  }
0x36: {  	p1 =	seq.s32 s10, $0x1;
	s10 =	sld [smem:$0x3FB4];
	_ =	sdelay $0x3  }
0x37: {  	[smem:$0x3FB4] =	sst s10  }
0x38: {  	s10 =	sld [smem:$0x3FB5]  }
0x39: {  	_ = 	snop;
	(pc) =	sbr.ind lr, $3  }
0x3a: {  	_ = 	snop  }
0x3b: {  	_ = 	snop  }
0x3c: {  	p2 =	seq.s32 s10, $0x1;
	s10 =	sld [smem:$0x3FB4]  }
0x3d: {  	_ =	shalt  }
0x3e: {  	_ =	shalt  }
0x3f: {  	_ =	shalt  }
0x40: {  	_ =	shalt  }
0x41: {  	_ =	shalt  }
0x42: {  	_ =	shalt  }
0x43: {  	_ =	shalt  }
0x44: {  	_ =	shalt  }
0x45: {  	_ =	shalt  }
0x46: {  	_ =	shalt  }
0x47: {  	_ =	shalt  }
0x48: {  	_ =	shalt  }
0x49: {  	_ =	shalt  }
0x4a: {  	_ =	shalt  }
0x4b: {  	_ =	shalt  }
0x4c: {  	_ =	shalt  }
0x4d: {  	_ =	shalt  }
0x4e: {  	_ =	shalt  }
0x4f: {  	_ =	shalt  }
0x50: {  	_ =	shalt  }
0x51: {  	_ =	shalt  }
0x52: {  	_ =	shalt  }
0x53: {  	_ =	shalt  }
0x54: {  	_ =	shalt  }
0x55: {  	_ =	shalt  }
0x56: {  	_ =	shalt  }
0x57: {  	_ =	shalt  }
0x58: {  	_ =	shalt  }
0x59: {  	_ =	shalt  }
0x5a: {  	_ =	shalt  }
0x5b: {  	_ =	shalt  }
0x5c: {  	_ =	shalt  }
0x5d: {  	_ =	shalt  }
0x5e: {  	_ =	shalt  }
0x5f: {  	_ =	shalt  }
0x60: {  	_ =	shalt  }
0x61: {  	_ =	shalt  }
0x62: {  	_ =	shalt  }
0x63: {  	_ =	shalt  }
0x64: {  	_ =	shalt  }
0x65: {  	_ =	shalt  }
0x66: {  	_ =	shalt  }
0x67: {  	_ =	shalt  }
0x68: {  	_ =	shalt  }
0x69: {  	_ =	shalt  }
0x6a: {  	_ =	shalt  }
0x6b: {  	_ =	shalt  }
0x6c: {  	_ =	shalt  }
0x6d: {  	_ =	shalt  }
0x6e: {  	_ =	shalt  }
0x6f: {  	_ =	shalt  }
0x70: {  	_ =	shalt  }
0x71: {  	_ =	shalt  }
0x72: {  	_ =	shalt  }
0x73: {  	_ =	shalt  }
0x74: {  	_ =	shalt  }
0x75: {  	_ =	shalt  }
0x76: {  	_ =	shalt  }
0x77: {  	_ =	shalt  }
0x78: {  	_ =	shalt  }
0x79: {  	_ =	shalt  }
0x7a: {  	_ =	shalt  }
0x7b: {  	_ =	shalt  }
0x7c: {  	_ =	shalt  }
0x7d: {  	_ =	shalt  }
0x7e: {  	_ =	shalt  }
0x7f: {  	_ =	shalt  }
0x80: {  	_ =	shalt  }
0x81: {  	_ =	shalt  }
0x82: {  	_ =	shalt  }
0x83: {  	_ =	shalt  }
0x84: {  	_ =	shalt  }
0x85: {  	_ =	shalt  }
0x86: {  	_ =	shalt  }
0x87: {  	_ =	shalt  }
.Lfunc_end0:
.L_simem_size_0:
called_computation.1_lowered:
.L_overlay_start_0:
0x88: {  	s2 =	sld [smem:$0x3FD9]  }
0x89: {  	s3 =	sld [smem:$0x3FFE];
	_ =	sdelay $0x1  }
0x8a: {  	s1 =	srdreg.scid  }
0x8b: {  	s0 =	sand.u32 $0x1, s1  }
0x8c: {  	s14 =	sshll.u32 s0, $0xA;
	s2 =	sadd.s32 s3, s2  }
0x8d: {  	s2 =	sadd.s32 s2, s14  }
0x8e: {  	[smem:$0x3FC0] =	sst s2  }
0x8f: {  	_ = 	snop  }
0x90: {  	s2 =	sld [smem:$0x3FD0];
	_ =	sdelay $0x2  }
0x91: {  	s15 =	simm.s32 $0xA;
	s4 =	simm.s32 $0x10  }
0x92: {  	[smem:s4], [sflag:s15] =	dma.local [hbm:s2], $0x1  }
0x93: {  	_ =	swait.eq [sflag:s15], $0x1  }
0x94: {  	[sflag:s15] =	ssyncset.done $0x0  }
0x95: {  	s16 =	sld [smem:$0x10];
	[sflag:s15] =	ssyncadd.s32 $0xFFFFFFFF  }
0x96: {  	s17 =	sld [smem:$0x11];
	(tm) =	ssettm $0x1  }
0x97: {  	s18 =	sld [smem:$0x3FFB];
	_ =	sdelay $0x3  }
0x98: {  	_ =	strace s18  }
0x99: {  	s4 =	sld [smem:$0x3FFC];
	_ =	sdelay $0x3  }
0x9a: {  	_ =	strace s4  }
0x9b: {  	s4 =	sld [smem:$0x3FFD];
	_ =	sdelay $0x3  }
0x9c: {  	_ =	strace s4  }
0x9d: {  	_ =	strace $0x8FFFFFFF  }
0x9e: {  	s19 =	sld [smem:$0x3FDB];
	_ =	sdelay $0x1  }
0x9f: {  	s5 =	simm.s32 $_scs_section_size  }
0xa0: {  	s6 =	simm.s32 $_size__tile_overlayer_lowered;
	s7 =	simm.s32 $_tile_overlayer_lowered  }
0xa1: {  	s22 =	simm.s32 $0x1BFF;
	s21 =	sshll.u32 s7, $0x1;
	s4 =	sadd.s32 s5, s19  }
0xa2: {  	s8 =	simm.s32 $0x0;
	s20 =	sshll.u32 s6, $0x1;
	s6 =	sadd.s32 s21, s4  }
0xa3: {  	[timem:s8], [sflag:s22] =	dma.local [hbm:s6], s20  }
0xa4: {  	_ =	swait.ge [sflag:s22], s20  }
0xa5: {  	s5 =	ssub.s32 $0x0, s20;
	[sflag:s22] =	ssyncset.done $0x0  }
0xa6: {  	[sflag:s22] =	ssyncadd.s32 s5;
	_ =	sdelay $0x1  }
0xa7: {  	s23 =	simm.s32 $0x1B8B  }
0xa8: {  	_ =	swait.ge [sflag:s23], $0x1  }
0xa9: {  	[sflag:s23] =	ssyncset.done $0x0  }
0xaa: {  	s25 =	simm.s32 $0x1B8E;
	s24 =	sld [smem:$0x3FFE];
	[sflag:s23] =	ssyncadd.s32 $0xFFFFFFFF  }
0xab: {  	s26 =	simm.s32 $execute0_lowered;
	[smem:$0x3FD2] =	sst s25  }
0xac: {  	s6 =	sshll.u32 s26, $0x1;
	_ =	strace $0x80000049;
	[dreg:$0x1] =	wrdreg $0xFFFFFFFF  }
0xad: {  	s28 =	simm.s32 $_size_execute0_lowered;
	s4 =	sadd.s32 s4, s6;
	[dreg:$0x0] =	wrdreg $0x0  }
0xae: {  	s6 =	sshll.u32 s28, $0x1;
	[dreg:$0x2] =	wrdreg s4  }
0xaf: {  	[dreg:$0x3] =	wrdreg s6  }
0xb0: {  	[dreg:$0x4] =	wrdreg $0xC0  }
0xb1: {  	_ =	task [dreg:s8], $0x5FFFF  }
0xb2: {  	[dreg:$0x1] =	wrdreg $0xFFFFFFFF  }
0xb3: {  	[dreg:$0x0] =	wrdreg $0x60  }
0xb4: {  	[dreg:$0x2] =	wrdreg s24  }
0xb5: {  	[dreg:$0x3] =	wrdreg s17  }
0xb6: {  	[dreg:$0x4] =	wrdreg s16  }
0xb7: {  	[dreg:$0x5] =	wrdreg $0x9C000  }
0xb8: {  	[dreg:$0x6] =	wrdreg $0x9  }
0xb9: {  	_ =	task.clear_ibuf [dreg:s8], $0x7FFFF;
	_ =	strace $0x90000049  }
0xba: {  	s29 =	simm.s32 $0x9;
	_ =	strace $0x8000004B  }
0xbb: {  	_ =	swait.ge [sflag:s29], $0x1  }
0xbc: {  	[sflag:s29] =	ssyncadd.s32 $0xFFFFFFFF  }
0xbd: {  	_ =	strace $0x9000004B  }
0xbe: {  	_ =	sfence  }
0xbf: {  	s30 =	sld [smem:$0x0];
	_ =	sdelay $0x2  }
0xc0: {  	s31 =	sshll.u32 s1, $0xD;
	s1 =	sshrl.u32 s1, $0x2  }
0xc1: {  	s3 =	sand.u32 $0x4000, s31;
	s1 =	sadd.s32 s1, s30  }
0xc2: {  	s0 =	sor.u32 s3, s0;
	s1 =	sshll.u32 s1, $0x11  }
0xc3: {  	s0 =	sor.u32 s1, s0  }
0xc4: {  	s0 =	sadd.s32 $0x8F2B, s0  }
0xc5: {  	[sflag:s0] =	ssyncadd.remote.s32 $0x1  }
0xc6: {  	_ =	sfence.sel $0xFFFF  }
0xc7: {  	[dreg:$0x0] =	wrdreg $0xFFFFFFFF;
	(pc) =	sbr.abs _section_cstart, $3  }
0xc8: {  	[dreg:$0x1] =	wrdreg $0xFFFFFFFF  }
0xc9: {  	_ =	task.clear_ibuf [dreg:s8], $0x2FFFF;
	_ =	strace $0x9FFFFFFF  }
0xca: {  	(tm) =	ssettm $0x7FFFFFFF  }
0xcb: {  	_ =	shalt  }
tec
execute0_lowered:
.L_overlay_start_1:
0x0: {  	(tag) =	ssettag $0x1  }
0x1: {  	s5 =	rddreg [dreg:$0x0]  }
0x2: {  	s6 =	rddreg [dreg:$0x1]  }
0x3: {  	s7 =	rddreg [dreg:$0x2]  }
0x4: {  	s2 =	rddreg [dreg:$0x3]  }
0x5: {  	s0 =	rddreg [dreg:$0x4];
	s1 =	stileid.u32  }
0x6: {  	s4 =	srdreg.scid;
	s3 =	simm.s32 $0x0;
	s14 =	simm.s32 $0x64  }
0x7: {  	s15 =	simm.s32 $0x6800;
	s16 =	simm.s32 $0x1;
	s17 =	simm.s32 $0x0  }
0x8: {  	s8 =	smul.u32 $0x13C00, s1;
	s9 =	sand.u32 $0x1, s4;
	[smem:$0x7FF] =	sst s3  }
0x9: {  	s4 =	sadd.s32 $0x2400, s5;
	s12 =	smul.u32 $0x4F000, s1;
	s31 =	sshll.u32 s1, $0x6  }
0xa: {  	s10 =	smul.u32 $0x13C000, s9;
	s29 =	sshll.u32 s9, $0x4;
	s9 =	ssub.s32 $0x2, s9  }
0xb: {  	_ =	strace $0x8000004A;
	s11 =	sshrl.u32 s8, $0x3;
	s13 =	sshrl.u32 s9, $0x1  }
0xc: {  	s12 =	sshrl.u32 s12, $0x2;
	s11 =	sadd.s32 s11, s5;
	s8 =	sadd.s32 s8, s10  }
0xd: {  	s10 =	sor.u32 s1, s29;
	s9 =	ssub.s32 s9, s13;
	s30 =	sadd.s32 s12, s2  }
0xe: {  	s12 =	sor.u32 $0x1C02, s31;
	s8 =	sshrl.u32 s8, $0x3;
	s10 =	smul.u32 $0x680, s10  }
0xf: {  	s9 =	smax.u32 s9, $0x1;
	s13 =	sshrl.u32 s30, $0x3;
	s8 =	sadd.s32 s8, s5  }
0x10: {  	s5 =	sadd.s32 s6, s10;
	s6 =	sadd.s32 s7, s10;
	s7 =	sadd.s32 $0x29600, s11  }
0x11: {  	s8 =	sadd.s32 $0x50E00, s8;
	s10 =	simm.s32 $0x2;
	s11 =	simm.s32 $0x3400  }
.LBB2_1:
0x12: {  	[tilespmem:s3], [sflag:$0x2] =	stream.linear.gather [hbm4b:s5+s3], $0x3200, $0x38;
	[tilespmem:$0x1D800] =	vst v63  }
0x13: {  	_ =	swait.ge [sflag:s10], $0x3200  }
0x14: {  	[sflag:s10] =	ssyncset.done $0x0  }
0x15: {  	[sflag:s10] =	ssyncadd.s32 $0xFFFFCE00  }
0x16: {  	[tilespmem:s11], [sflag:$0x2] =	stream.linear.gather [hbm4b:s6+s3], $0x3200, $0x38;
	[tilespmem:$0x1D800] =	vst v63  }
0x17: {  	_ =	swait.ge [sflag:s10], $0x3200  }
0x18: {  	[sflag:s10] =	ssyncset.done $0x0  }
0x19: {  	[sflag:s10] =	ssyncadd.s32 $0xFFFFCE00  }
0x1a: {  	[spmem:s13], [sflag:s12] =	dma.local [hbm:s7], $0x2780  }
0x1b: {  	_ =	swait.ge [sflag:s10], $0x2780  }
0x1c: {  	[sflag:s10] =	ssyncset.done $0x0  }
0x1d: {  	[sflag:s10] =	ssyncadd.s32 $0xFFFFD880  }
0x1e: {  	s18 =	simm.s32 $0x0;
	[bflag:$0x0] =	sbarrier.arrive $0xFFFF  }
0x1f: {  	[tilespmem:s15], [sflag:$0x1] =	stream.indirect.gather [hbm4b:s4+s14], $0x80, s18, s14, $0xb8;
	[tilespmem:$0x1D800] =	vst v63  }
0x20: {  	_ =	swait.ge [sflag:s16], $0x3200  }
0x21: {  	[sflag:s16] =	ssyncset.done $0x0  }
0x22: {  	s31 =	simm.s32 $0x3400;
	[sflag:s16] =	ssyncadd.s32 $0xFFFFCE00  }
0x23: {  	[spmem:s2] =	stream.indirect.scatter.add.f32 [tilespmem:s15], [sflag:$0x2], $0x80, s31, s14, $0xb8;
	[tilespmem:$0x1D800] =	vst v63  }
0x24: {  	_ =	swait.ge [sflag:s10], $0x3200  }
0x25: {  	s19 =	simm.s32 $0x400;
	s18 =	simm.s32 $0x200;
	[sflag:s10] =	ssyncset.done $0x0  }
.LBB2_2:
0x26: {  	s20 =	sshra.s32 s18, $0x2  }
0x27: {  	[sflag:s10] =	ssyncadd.s32 $0xFFFFCE00;
	s18 =	smov.u32 s19;
	s21 =	sadd.s32 $0x200, s19  }
0x28: {  	[tilespmem:s15], [sflag:$0x1] =	stream.indirect.gather [hbm4b:s4+s14], $0x80, s20, s14, $0xb8;
	[tilespmem:$0x1D800] =	vst v63  }
0x29: {  	p0 =	sne.s32 s19, $0xC600;
	_ =	swait.ge [sflag:s16], $0x3200  }
.Ltmp0:
0x2a: {  	[sflag:s16] =	ssyncset.done $0x0;
	(pc) =	sbr.rel @p0 .LBB2_2-.Ltmp0, $4  }
0x2b: {  	s19 =	sadd.s32 $0x3400, s20;
	[sflag:s16] =	ssyncadd.s32 $0xFFFFCE00  }
0x2c: {  	[spmem:s2] =	stream.indirect.scatter.add.f32 [tilespmem:s15], [sflag:$0x2], $0x80, s19, s14, $0xb8;
	[tilespmem:$0x1D800] =	vst v63  }
0x2d: {  	_ =	swait.ge [sflag:s10], $0x3200  }
0x2e: {  	s19 =	smov.u32 s21;
	[sflag:s10] =	ssyncset.done $0x0  }
0x2f: {  	s18 =	sshra.s32 s18, $0x2;
	[sflag:s10] =	ssyncadd.s32 $0xFFFFCE00  }
0x30: {  	[tilespmem:s15], [sflag:$0x1] =	stream.indirect.gather [hbm4b:s4+s14], $0x80, s18, s14, $0xb8;
	[tilespmem:$0x1D800] =	vst v63  }
0x31: {  	_ =	swait.ge [sflag:s16], $0x3200  }
0x32: {  	[sflag:s16] =	ssyncset.done $0x0  }
0x33: {  	s18 =	sadd.s32 $0x3400, s18;
	[sflag:s16] =	ssyncadd.s32 $0xFFFFCE00  }
0x34: {  	[spmem:s2] =	stream.indirect.scatter.add.f32 [tilespmem:s15], [sflag:$0x2], $0x80, s18, s14, $0xb8;
	[tilespmem:$0x1D800] =	vst v63  }
0x35: {  	_ =	swait.ge [sflag:s10], $0x3200  }
0x36: {  	s17 =	sadd.s32 $0x1, s17;
	[sflag:s10] =	ssyncset.done $0x0  }
0x37: {  	p0 =	sne.s32 s17, s9;
	[sflag:s10] =	ssyncadd.s32 $0xFFFFCE00  }
.Ltmp1:
0x38: {  	[bflag:$0x0] =	sbarrier.arrive $0xFFFF;
	(pc) =	sbr.rel @p0 .LBB2_1-.Ltmp1, $4  }
0x39: {  	[hbm:s8], [sflag:s12] =	dma.local [spmem:s13], $0x2780  }
0x3a: {  	_ =	swait.ge [sflag:s10], $0x2780  }
0x3b: {  	[sflag:s10] =	ssyncset.done $0x0  }
0x3c: {  	[sflag:s10] =	ssyncadd.s32 $0xFFFFD880  }
0x3d: {  	_ =	sfence.sel $0x180000  }
0x3e: {  	[bflag:$0x0] =	sbarrier.arrive $0xFFFF  }
0x3f: {  	p0 =	sne.s32 s1, $0x0;
	_ =	strace $0x9000004A  }
0x40: {  	s0 =	sadd.s32 @!p0 $0x100000, s0;
	[bflag:$0x2] =	sbarrier.arrive $0xFFFF  }
0x41: {  	[sflag:s0] =	ssyncadd.tile.s32 @!p0 $0x1;
	_ =	shalt  }
.Lfunc_end2:
_tile_overlayer_lowered:
.L_overlay_start_2:
0x42: {  	(tag) =	ssettag $0x2  }
0x43: {  	s0 =	rddreg [dreg:$0x0];
	s2 =	stileid.u32  }
0x44: {  	s1 =	rddreg [dreg:$0x1];
	p0 =	sne.s32 s2, $0x0  }
0x45: {  	s3 =	rddreg [dreg:$0x2];
	[bflag:$0x3] =	sbarrier.arrive $0xFFFF;
	s2 =	simm.s32 @!p0 $0x1C02  }
0x46: {  	[timem:s3], [sflag:s2] =	dma.local @!p0 [hbm:s0], s1  }
0x47: {  	s0 =	simm.s32 @!p0 $0x2  }
0x48: {  	_ =	swait.ge @!p0 [sflag:s0], s1  }
0x49: {  	s1 =	ssub.s32 @!p0 $0x0, s1;
	[sflag:s0] =	ssyncset.done @!p0 $0x0  }
0x4a: {  	[sflag:s0] =	ssyncadd.s32 @!p0 s1  }
0x4b: {  	[bflag:$0x3] =	sbarrier.arrive $0xFFFF  }
0x4c: {  	_ =	shalt  }

// kernel: kernel.14.cloned.1.call-start
scs
__scs_entry_jumppad:
0x0: {  	(pc) =	sbr.rel $0x88, $3  }
0x1: {  	(tag) =	ssettag $0x0;
	lr =	simm.s32 $0x1  }
0x2: {  	[smem:$0x3F99] =	sst lr;
	_ =	strace $0xD0000000  }
0x3: {  	_ = 	snop  }
0x4: {  	_ = 	snop  }
0x5: {  	_ = 	snop  }
0x6: {  	_ = 	snop  }
0x7: {  	_ = 	snop  }
__scs_overlays_trampoline_lowered:
0x8: {  	[smem:$0x3FA8] =	sst s0  }
0x9: {  	[smem:$0x3FA9] =	sst s1  }
0xa: {  	[smem:$0x3FAA] =	sst s2  }
0xb: {  	[smem:$0x3FAB] =	sst s3  }
0xc: {  	[smem:$0x3FAC] =	sst s4  }
0xd: {  	[smem:$0x3FAD] =	sst s5  }
0xe: {  	[smem:$0x3FAE] =	sst s6  }
0xf: {  	[smem:$0x3FAF] =	sst s7  }
0x10: {  	[smem:$0x3FB0] =	sst s8  }
0x11: {  	[smem:$0x3FB1] =	sst s9;
	s0 =	simm.s32 @!p0 $0x0  }
0x12: {  	s1 =	sld [smem:$0x3F97];
	s0 =	simm.s32 @p0 $0x1  }
0x13: {  	[smem:$0x3FB2] =	sst s0;
	s0 =	simm.s32 @!p1 $0x0  }
0x14: {  	s2 =	sld [smem:$0x3F96];
	s0 =	simm.s32 @p1 $0x1  }
0x15: {  	[smem:$0x3FB3] =	sst s0;
	s0 =	simm.s32 @!p2 $0x0  }
0x16: {  	s3 =	sld [smem:$0x3FDB];
	s0 =	simm.s32 @p2 $0x1  }
0x17: {  	s4 =	simm.s32 $0x1BF5;
	[smem:$0x3FB5] =	sst s0  }
0x18: {  	s0 =	sld [smem:$0x3F98];
	_ =	swait.ge [sflag:s4], $0x0  }
0x19: {  	s7 =	sld [smem:$0x3F99]  }
0x1a: {  	s8 =	sadd.s32 $0xFFFFE003, lr  }
0x1b: {  	s9 =	sadd.s32 $0xFFFFFEF7, lr;
	s5 =	simm.s32 $0xFFFFFFFF;
	p2 =	slt.u32 s8, $0xFFFFF086  }
0x1c: {  	p1 =	slt.u32 s9, $0xF7A;
	s5 =	simm.s32 @!p2 $0x0  }
0x1d: {  	s5 =	simm.s32 @p1 $0x1;
	p0 =	seq.s32 s7, s2  }
0x1e: {  	s7 =	smul.u32 @!p0 $0xF7A, s2;
	p2 =	seq.s32 @!p0 s5, $0x0  }
0x1f: {  	s9 =	smul.u32 $0xF7A, s1;
	s8 =	simm.s32 @!p0 $0x1BF5;
	p2 =	por !p2, p0  }
0x20: {  	[sflag:s8] =	ssyncset.s32 @!p0 $0xFFFFF086;
	s6 =	sadd.s32 @!p0 s3, s7;
	s7 =	simm.s32 @!p0 $0x108  }
0x21: {  	s3 =	sadd.s32 s3, s9;
	s6 =	sadd.s32 @!p0 $0x88, s6;
	s7 =	simm.s32 @p2 $0x1082  }
0x22: {  	[simem:s7], [sflag:s8] =	dma.local @!p0 [hbm:s6], $0xF7A  }
0x23: {  	s9 =	sor.u32 $0xD0000000, s2;
	s6 =	simm.s32 $0x108;
	_ =	swait.ge @!p0 [sflag:s8], $0x0  }
0x24: {  	s3 =	sadd.s32 $0x88, s3;
	s6 =	simm.s32 @!p1 $0x1082;
	[sflag:s4] =	ssyncset.s32 $0xFFFFF086  }
0x25: {  	[simem:s6], [sflag:s4] =	dma.local [hbm:s3], $0xF7A  }
0x26: {  	[smem:$0x3F99] =	sst s1;
	(tag) =	ssettag s2;
	_ =	strace s9  }
0x27: {  	s1 =	sld [smem:$0x3FA9]  }
0x28: {  	s2 =	sld [smem:$0x3FAA]  }
0x29: {  	s4 =	sld [smem:$0x3FAC]  }
0x2a: {  	p0 =	seq.s32 s5, $0x0;
	s5 =	sld [smem:$0x3FAD]  }
0x2b: {  	s6 =	sld [smem:$0x3FAE]  }
0x2c: {  	s7 =	sld [smem:$0x3FAF]  }
0x2d: {  	s3 =	simm.s32 $0x108;
	s8 =	sld [smem:$0x3FB0]  }
0x2e: {  	s3 =	simm.s32 @!p0 $0x1082;
	s9 =	sld [smem:$0x3FB1]  }
0x2f: {  	lr =	sadd.s32 s0, s3;
	s0 =	sld [smem:$0x3FA8]  }
0x30: {  	s3 =	sld [smem:$0x3FAB]  }
0x31: {  	[smem:$0x3FB4] =	sst s10  }
0x32: {  	s10 =	sld [smem:$0x3FB2];
	_ =	sdelay $0x3  }
0x33: {  	p0 =	seq.s32 s10, $0x1;
	s10 =	sld [smem:$0x3FB4];
	_ =	sdelay $0x3  }
0x34: {  	[smem:$0x3FB4] =	sst s10  }
0x35: {  	s10 =	sld [smem:$0x3FB3];
	_ =	sdelay $0x3  }
0x36: {  	p1 =	seq.s32 s10, $0x1;
	s10 =	sld [smem:$0x3FB4];
	_ =	sdelay $0x3  }
0x37: {  	[smem:$0x3FB4] =	sst s10  }
0x38: {  	s10 =	sld [smem:$0x3FB5]  }
0x39: {  	_ = 	snop;
	(pc) =	sbr.ind lr, $3  }
0x3a: {  	_ = 	snop  }
0x3b: {  	_ = 	snop  }
0x3c: {  	p2 =	seq.s32 s10, $0x1;
	s10 =	sld [smem:$0x3FB4]  }
0x3d: {  	_ =	shalt  }
0x3e: {  	_ =	shalt  }
0x3f: {  	_ =	shalt  }
0x40: {  	_ =	shalt  }
0x41: {  	_ =	shalt  }
0x42: {  	_ =	shalt  }
0x43: {  	_ =	shalt  }
0x44: {  	_ =	shalt  }
0x45: {  	_ =	shalt  }
0x46: {  	_ =	shalt  }
0x47: {  	_ =	shalt  }
0x48: {  	_ =	shalt  }
0x49: {  	_ =	shalt  }
0x4a: {  	_ =	shalt  }
0x4b: {  	_ =	shalt  }
0x4c: {  	_ =	shalt  }
0x4d: {  	_ =	shalt  }
0x4e: {  	_ =	shalt  }
0x4f: {  	_ =	shalt  }
0x50: {  	_ =	shalt  }
0x51: {  	_ =	shalt  }
0x52: {  	_ =	shalt  }
0x53: {  	_ =	shalt  }
0x54: {  	_ =	shalt  }
0x55: {  	_ =	shalt  }
0x56: {  	_ =	shalt  }
0x57: {  	_ =	shalt  }
0x58: {  	_ =	shalt  }
0x59: {  	_ =	shalt  }
0x5a: {  	_ =	shalt  }
0x5b: {  	_ =	shalt  }
0x5c: {  	_ =	shalt  }
0x5d: {  	_ =	shalt  }
0x5e: {  	_ =	shalt  }
0x5f: {  	_ =	shalt  }
0x60: {  	_ =	shalt  }
0x61: {  	_ =	shalt  }
0x62: {  	_ =	shalt  }
0x63: {  	_ =	shalt  }
0x64: {  	_ =	shalt  }
0x65: {  	_ =	shalt  }
0x66: {  	_ =	shalt  }
0x67: {  	_ =	shalt  }
0x68: {  	_ =	shalt  }
0x69: {  	_ =	shalt  }
0x6a: {  	_ =	shalt  }
0x6b: {  	_ =	shalt  }
0x6c: {  	_ =	shalt  }
0x6d: {  	_ =	shalt  }
0x6e: {  	_ =	shalt  }
0x6f: {  	_ =	shalt  }
0x70: {  	_ =	shalt  }
0x71: {  	_ =	shalt  }
0x72: {  	_ =	shalt  }
0x73: {  	_ =	shalt  }
0x74: {  	_ =	shalt  }
0x75: {  	_ =	shalt  }
0x76: {  	_ =	shalt  }
0x77: {  	_ =	shalt  }
0x78: {  	_ =	shalt  }
0x79: {  	_ =	shalt  }
0x7a: {  	_ =	shalt  }
0x7b: {  	_ =	shalt  }
0x7c: {  	_ =	shalt  }
0x7d: {  	_ =	shalt  }
0x7e: {  	_ =	shalt  }
0x7f: {  	_ =	shalt  }
0x80: {  	_ =	shalt  }
0x81: {  	_ =	shalt  }
0x82: {  	_ =	shalt  }
0x83: {  	_ =	shalt  }
0x84: {  	_ =	shalt  }
0x85: {  	_ =	shalt  }
0x86: {  	_ =	shalt  }
0x87: {  	_ =	shalt  }
.Lfunc_end0:
.L_simem_size_0:
called_computation.2_lowered:
.L_overlay_start_0:
0x88: {  	s2 =	sld [smem:$0x3FD9]  }
0x89: {  	s3 =	sld [smem:$0x3FFE];
	_ =	sdelay $0x1  }
0x8a: {  	s1 =	srdreg.scid  }
0x8b: {  	s0 =	sand.u32 $0x1, s1  }
0x8c: {  	s14 =	sshll.u32 s0, $0xA;
	s2 =	sadd.s32 s3, s2  }
0x8d: {  	s2 =	sadd.s32 s2, s14  }
0x8e: {  	[smem:$0x3FC0] =	sst s2  }
0x8f: {  	_ = 	snop  }
0x90: {  	s2 =	sld [smem:$0x3FD0];
	_ =	sdelay $0x2  }
0x91: {  	s15 =	simm.s32 $0xA;
	s4 =	simm.s32 $0x10  }
0x92: {  	[smem:s4], [sflag:s15] =	dma.local [hbm:s2], $0x1  }
0x93: {  	_ =	swait.eq [sflag:s15], $0x1  }
0x94: {  	[sflag:s15] =	ssyncset.done $0x0  }
0x95: {  	s16 =	sld [smem:$0x10];
	[sflag:s15] =	ssyncadd.s32 $0xFFFFFFFF  }
0x96: {  	s17 =	sld [smem:$0x11];
	(tm) =	ssettm $0x1  }
0x97: {  	s18 =	sld [smem:$0x3FFB];
	_ =	sdelay $0x3  }
0x98: {  	_ =	strace s18  }
0x99: {  	s4 =	sld [smem:$0x3FFC];
	_ =	sdelay $0x3  }
0x9a: {  	_ =	strace s4  }
0x9b: {  	s4 =	sld [smem:$0x3FFD];
	_ =	sdelay $0x3  }
0x9c: {  	_ =	strace s4  }
0x9d: {  	_ =	strace $0x8FFFFFFF  }
0x9e: {  	s19 =	sld [smem:$0x3FDB];
	_ =	sdelay $0x1  }
0x9f: {  	s5 =	simm.s32 $_scs_section_size  }
0xa0: {  	s6 =	simm.s32 $_size__tile_overlayer_lowered;
	s7 =	simm.s32 $_tile_overlayer_lowered  }
0xa1: {  	s22 =	simm.s32 $0x1BFF;
	s21 =	sshll.u32 s7, $0x1;
	s4 =	sadd.s32 s5, s19  }
0xa2: {  	s8 =	simm.s32 $0x0;
	s20 =	sshll.u32 s6, $0x1;
	s6 =	sadd.s32 s21, s4  }
0xa3: {  	[timem:s8], [sflag:s22] =	dma.local [hbm:s6], s20  }
0xa4: {  	_ =	swait.ge [sflag:s22], s20  }
0xa5: {  	s5 =	ssub.s32 $0x0, s20;
	[sflag:s22] =	ssyncset.done $0x0  }
0xa6: {  	[sflag:s22] =	ssyncadd.s32 s5;
	_ =	sdelay $0x1  }
0xa7: {  	s23 =	simm.s32 $0x1B8B  }
0xa8: {  	_ =	swait.ge [sflag:s23], $0x1  }
0xa9: {  	[sflag:s23] =	ssyncset.done $0x0  }
0xaa: {  	s25 =	simm.s32 $0x1B8E;
	s24 =	sld [smem:$0x3FFE];
	[sflag:s23] =	ssyncadd.s32 $0xFFFFFFFF  }
0xab: {  	s26 =	simm.s32 $execute0_lowered;
	[smem:$0x3FD2] =	sst s25  }
0xac: {  	s6 =	sshll.u32 s26, $0x1;
	_ =	strace $0x8000004C;
	[dreg:$0x1] =	wrdreg $0xFFFFFFFF  }
0xad: {  	s28 =	simm.s32 $_size_execute0_lowered;
	s4 =	sadd.s32 s4, s6;
	[dreg:$0x0] =	wrdreg $0x0  }
0xae: {  	s6 =	sshll.u32 s28, $0x1;
	[dreg:$0x2] =	wrdreg s4  }
0xaf: {  	[dreg:$0x3] =	wrdreg s6  }
0xb0: {  	[dreg:$0x4] =	wrdreg $0xC0  }
0xb1: {  	_ =	task [dreg:s8], $0x5FFFF  }
0xb2: {  	[dreg:$0x1] =	wrdreg $0xFFFFFFFF  }
0xb3: {  	[dreg:$0x0] =	wrdreg $0x60  }
0xb4: {  	[dreg:$0x2] =	wrdreg s24  }
0xb5: {  	[dreg:$0x3] =	wrdreg s17  }
0xb6: {  	[dreg:$0x4] =	wrdreg s16  }
0xb7: {  	[dreg:$0x5] =	wrdreg $0x9C000  }
0xb8: {  	[dreg:$0x6] =	wrdreg $0x9  }
0xb9: {  	_ =	task.clear_ibuf [dreg:s8], $0x7FFFF;
	_ =	strace $0x9000004C  }
0xba: {  	s29 =	simm.s32 $0x9;
	_ =	strace $0x8000004E  }
0xbb: {  	_ =	swait.ge [sflag:s29], $0x1  }
0xbc: {  	[sflag:s29] =	ssyncadd.s32 $0xFFFFFFFF  }
0xbd: {  	_ =	strace $0x9000004E  }
0xbe: {  	_ =	sfence  }
0xbf: {  	s30 =	sld [smem:$0x0];
	_ =	sdelay $0x2  }
0xc0: {  	s31 =	sshll.u32 s1, $0xD;
	s1 =	sshrl.u32 s1, $0x2  }
0xc1: {  	s3 =	sand.u32 $0x4000, s31;
	s1 =	sadd.s32 s1, s30  }
0xc2: {  	s0 =	sor.u32 s3, s0;
	s1 =	sshll.u32 s1, $0x11  }
0xc3: {  	s0 =	sor.u32 s1, s0  }
0xc4: {  	s0 =	sadd.s32 $0x8F2B, s0  }
0xc5: {  	[sflag:s0] =	ssyncadd.remote.s32 $0x1  }
0xc6: {  	_ =	sfence.sel $0xFFFF  }
0xc7: {  	[dreg:$0x0] =	wrdreg $0xFFFFFFFF;
	(pc) =	sbr.abs _section_cstart, $3  }
0xc8: {  	[dreg:$0x1] =	wrdreg $0xFFFFFFFF  }
0xc9: {  	_ =	task.clear_ibuf [dreg:s8], $0x2FFFF;
	_ =	strace $0x9FFFFFFF  }
0xca: {  	(tm) =	ssettm $0x7FFFFFFF  }
0xcb: {  	_ =	shalt  }
tec
execute0_lowered:
.L_overlay_start_1:
0x0: {  	(tag) =	ssettag $0x1  }
0x1: {  	s5 =	rddreg [dreg:$0x0]  }
0x2: {  	s6 =	rddreg [dreg:$0x1]  }
0x3: {  	s7 =	rddreg [dreg:$0x2]  }
0x4: {  	s2 =	rddreg [dreg:$0x3]  }
0x5: {  	s0 =	rddreg [dreg:$0x4];
	s1 =	stileid.u32  }
0x6: {  	s4 =	srdreg.scid;
	s3 =	simm.s32 $0x0;
	s14 =	simm.s32 $0x64  }
0x7: {  	s15 =	simm.s32 $0x6800;
	s16 =	simm.s32 $0x1;
	s17 =	simm.s32 $0x0  }
0x8: {  	s8 =	smul.u32 $0x13C00, s1;
	s9 =	sand.u32 $0x1, s4;
	[smem:$0x7FF] =	sst s3  }
0x9: {  	s4 =	sadd.s32 $0x2400, s5;
	s12 =	smul.u32 $0x4F000, s1;
	s31 =	sshll.u32 s1, $0x6  }
0xa: {  	s10 =	smul.u32 $0x13C000, s9;
	s29 =	sshll.u32 s9, $0x4;
	s9 =	ssub.s32 $0x2, s9  }
0xb: {  	_ =	strace $0x8000004D;
	s11 =	sshrl.u32 s8, $0x3;
	s13 =	sshrl.u32 s9, $0x1  }
0xc: {  	s12 =	sshrl.u32 s12, $0x2;
	s11 =	sadd.s32 s11, s5;
	s8 =	sadd.s32 s8, s10  }
0xd: {  	s10 =	sor.u32 s1, s29;
	s9 =	ssub.s32 s9, s13;
	s30 =	sadd.s32 s12, s2  }
0xe: {  	s12 =	sor.u32 $0x1C02, s31;
	s8 =	sshrl.u32 s8, $0x3;
	s10 =	smul.u32 $0x680, s10  }
0xf: {  	s9 =	smax.u32 s9, $0x1;
	s13 =	sshrl.u32 s30, $0x3;
	s8 =	sadd.s32 s8, s5  }
0x10: {  	s5 =	sadd.s32 s6, s10;
	s6 =	sadd.s32 s7, s10;
	s7 =	sadd.s32 $0x29600, s11  }
0x11: {  	s8 =	sadd.s32 $0x50E00, s8;
	s10 =	simm.s32 $0x2;
	s11 =	simm.s32 $0x3400  }
.LBB2_1:
0x12: {  	[tilespmem:s3], [sflag:$0x2] =	stream.linear.gather [hbm4b:s5+s3], $0x3200, $0x38;
	[tilespmem:$0x1D800] =	vst v63  }
0x13: {  	_ =	swait.ge [sflag:s10], $0x3200  }
0x14: {  	[sflag:s10] =	ssyncset.done $0x0  }
0x15: {  	[sflag:s10] =	ssyncadd.s32 $0xFFFFCE00  }
0x16: {  	[tilespmem:s11], [sflag:$0x2] =	stream.linear.gather [hbm4b:s6+s3], $0x3200, $0x38;
	[tilespmem:$0x1D800] =	vst v63  }
0x17: {  	_ =	swait.ge [sflag:s10], $0x3200  }
0x18: {  	[sflag:s10] =	ssyncset.done $0x0  }
0x19: {  	[sflag:s10] =	ssyncadd.s32 $0xFFFFCE00  }
0x1a: {  	[spmem:s13], [sflag:s12] =	dma.local [hbm:s7], $0x2780  }
0x1b: {  	_ =	swait.ge [sflag:s10], $0x2780  }
0x1c: {  	[sflag:s10] =	ssyncset.done $0x0  }
0x1d: {  	[sflag:s10] =	ssyncadd.s32 $0xFFFFD880  }
0x1e: {  	s18 =	simm.s32 $0x0;
	[bflag:$0x0] =	sbarrier.arrive $0xFFFF  }
0x1f: {  	[tilespmem:s15], [sflag:$0x1] =	stream.indirect.gather [hbm4b:s4+s14], $0x80, s18, s14, $0xb8;
	[tilespmem:$0x1D800] =	vst v63  }
0x20: {  	_ =	swait.ge [sflag:s16], $0x3200  }
0x21: {  	[sflag:s16] =	ssyncset.done $0x0  }
0x22: {  	s31 =	simm.s32 $0x3400;
	[sflag:s16] =	ssyncadd.s32 $0xFFFFCE00  }
0x23: {  	[spmem:s2] =	stream.indirect.scatter.add.f32 [tilespmem:s15], [sflag:$0x2], $0x80, s31, s14, $0xb8;
	[tilespmem:$0x1D800] =	vst v63  }
0x24: {  	_ =	swait.ge [sflag:s10], $0x3200  }
0x25: {  	s19 =	simm.s32 $0x400;
	s18 =	simm.s32 $0x200;
	[sflag:s10] =	ssyncset.done $0x0  }
.LBB2_2:
0x26: {  	s20 =	sshra.s32 s18, $0x2  }
0x27: {  	[sflag:s10] =	ssyncadd.s32 $0xFFFFCE00;
	s18 =	smov.u32 s19;
	s21 =	sadd.s32 $0x200, s19  }
0x28: {  	[tilespmem:s15], [sflag:$0x1] =	stream.indirect.gather [hbm4b:s4+s14], $0x80, s20, s14, $0xb8;
	[tilespmem:$0x1D800] =	vst v63  }
0x29: {  	p0 =	sne.s32 s19, $0xC600;
	_ =	swait.ge [sflag:s16], $0x3200  }
.Ltmp0:
0x2a: {  	[sflag:s16] =	ssyncset.done $0x0;
	(pc) =	sbr.rel @p0 .LBB2_2-.Ltmp0, $4  }
0x2b: {  	s19 =	sadd.s32 $0x3400, s20;
	[sflag:s16] =	ssyncadd.s32 $0xFFFFCE00  }
0x2c: {  	[spmem:s2] =	stream.indirect.scatter.add.f32 [tilespmem:s15], [sflag:$0x2], $0x80, s19, s14, $0xb8;
	[tilespmem:$0x1D800] =	vst v63  }
0x2d: {  	_ =	swait.ge [sflag:s10], $0x3200  }
0x2e: {  	s19 =	smov.u32 s21;
	[sflag:s10] =	ssyncset.done $0x0  }
0x2f: {  	s18 =	sshra.s32 s18, $0x2;
	[sflag:s10] =	ssyncadd.s32 $0xFFFFCE00  }
0x30: {  	[tilespmem:s15], [sflag:$0x1] =	stream.indirect.gather [hbm4b:s4+s14], $0x80, s18, s14, $0xb8;
	[tilespmem:$0x1D800] =	vst v63  }
0x31: {  	_ =	swait.ge [sflag:s16], $0x3200  }
0x32: {  	[sflag:s16] =	ssyncset.done $0x0  }
0x33: {  	s18 =	sadd.s32 $0x3400, s18;
	[sflag:s16] =	ssyncadd.s32 $0xFFFFCE00  }
0x34: {  	[spmem:s2] =	stream.indirect.scatter.add.f32 [tilespmem:s15], [sflag:$0x2], $0x80, s18, s14, $0xb8;
	[tilespmem:$0x1D800] =	vst v63  }
0x35: {  	_ =	swait.ge [sflag:s10], $0x3200  }
0x36: {  	s17 =	sadd.s32 $0x1, s17;
	[sflag:s10] =	ssyncset.done $0x0  }
0x37: {  	p0 =	sne.s32 s17, s9;
	[sflag:s10] =	ssyncadd.s32 $0xFFFFCE00  }
.Ltmp1:
0x38: {  	[bflag:$0x0] =	sbarrier.arrive $0xFFFF;
	(pc) =	sbr.rel @p0 .LBB2_1-.Ltmp1, $4  }
0x39: {  	[hbm:s8], [sflag:s12] =	dma.local [spmem:s13], $0x2780  }
0x3a: {  	_ =	swait.ge [sflag:s10], $0x2780  }
0x3b: {  	[sflag:s10] =	ssyncset.done $0x0  }
0x3c: {  	[sflag:s10] =	ssyncadd.s32 $0xFFFFD880  }
0x3d: {  	_ =	sfence.sel $0x180000  }
0x3e: {  	[bflag:$0x0] =	sbarrier.arrive $0xFFFF  }
0x3f: {  	p0 =	sne.s32 s1, $0x0;
	_ =	strace $0x9000004D  }
0x40: {  	s0 =	sadd.s32 @!p0 $0x100000, s0;
	[bflag:$0x2] =	sbarrier.arrive $0xFFFF  }
0x41: {  	[sflag:s0] =	ssyncadd.tile.s32 @!p0 $0x1;
	_ =	shalt  }
.Lfunc_end2:
_tile_overlayer_lowered:
.L_overlay_start_2:
0x42: {  	(tag) =	ssettag $0x2  }
0x43: {  	s0 =	rddreg [dreg:$0x0];
	s2 =	stileid.u32  }
0x44: {  	s1 =	rddreg [dreg:$0x1];
	p0 =	sne.s32 s2, $0x0  }
0x45: {  	s3 =	rddreg [dreg:$0x2];
	[bflag:$0x3] =	sbarrier.arrive $0xFFFF;
	s2 =	simm.s32 @!p0 $0x1C02  }
0x46: {  	[timem:s3], [sflag:s2] =	dma.local @!p0 [hbm:s0], s1  }
0x47: {  	s0 =	simm.s32 @!p0 $0x2  }
0x48: {  	_ =	swait.ge @!p0 [sflag:s0], s1  }
0x49: {  	s1 =	ssub.s32 @!p0 $0x0, s1;
	[sflag:s0] =	ssyncset.done @!p0 $0x0  }
0x4a: {  	[sflag:s0] =	ssyncadd.s32 @!p0 s1  }
0x4b: {  	[bflag:$0x3] =	sbarrier.arrive $0xFFFF  }
0x4c: {  	_ =	shalt  }

// kernel: kernel.8.cloned.1.call-start
scs
__scs_entry_jumppad:
0x0: {  	(pc) =	sbr.rel $0x88, $3  }
0x1: {  	(tag) =	ssettag $0x0;
	lr =	simm.s32 $0x1  }
0x2: {  	[smem:$0x3F99] =	sst lr;
	_ =	strace $0xD0000000  }
0x3: {  	_ = 	snop  }
0x4: {  	_ = 	snop  }
0x5: {  	_ = 	snop  }
0x6: {  	_ = 	snop  }
0x7: {  	_ = 	snop  }
__scs_overlays_trampoline_lowered:
0x8: {  	[smem:$0x3FA8] =	sst s0  }
0x9: {  	[smem:$0x3FA9] =	sst s1  }
0xa: {  	[smem:$0x3FAA] =	sst s2  }
0xb: {  	[smem:$0x3FAB] =	sst s3  }
0xc: {  	[smem:$0x3FAC] =	sst s4  }
0xd: {  	[smem:$0x3FAD] =	sst s5  }
0xe: {  	[smem:$0x3FAE] =	sst s6  }
0xf: {  	[smem:$0x3FAF] =	sst s7  }
0x10: {  	[smem:$0x3FB0] =	sst s8  }
0x11: {  	[smem:$0x3FB1] =	sst s9;
	s0 =	simm.s32 @!p0 $0x0  }
0x12: {  	s1 =	sld [smem:$0x3F97];
	s0 =	simm.s32 @p0 $0x1  }
0x13: {  	[smem:$0x3FB2] =	sst s0;
	s0 =	simm.s32 @!p1 $0x0  }
0x14: {  	s2 =	sld [smem:$0x3F96];
	s0 =	simm.s32 @p1 $0x1  }
0x15: {  	[smem:$0x3FB3] =	sst s0;
	s0 =	simm.s32 @!p2 $0x0  }
0x16: {  	s3 =	sld [smem:$0x3FDB];
	s0 =	simm.s32 @p2 $0x1  }
0x17: {  	s4 =	simm.s32 $0x1BF5;
	[smem:$0x3FB5] =	sst s0  }
0x18: {  	s0 =	sld [smem:$0x3F98];
	_ =	swait.ge [sflag:s4], $0x0  }
0x19: {  	s7 =	sld [smem:$0x3F99]  }
0x1a: {  	s8 =	sadd.s32 $0xFFFFE003, lr  }
0x1b: {  	s9 =	sadd.s32 $0xFFFFFEF7, lr;
	s5 =	simm.s32 $0xFFFFFFFF;
	p2 =	slt.u32 s8, $0xFFFFF086  }
0x1c: {  	p1 =	slt.u32 s9, $0xF7A;
	s5 =	simm.s32 @!p2 $0x0  }
0x1d: {  	s5 =	simm.s32 @p1 $0x1;
	p0 =	seq.s32 s7, s2  }
0x1e: {  	s7 =	smul.u32 @!p0 $0xF7A, s2;
	p2 =	seq.s32 @!p0 s5, $0x0  }
0x1f: {  	s9 =	smul.u32 $0xF7A, s1;
	s8 =	simm.s32 @!p0 $0x1BF5;
	p2 =	por !p2, p0  }
0x20: {  	[sflag:s8] =	ssyncset.s32 @!p0 $0xFFFFF086;
	s6 =	sadd.s32 @!p0 s3, s7;
	s7 =	simm.s32 @!p0 $0x108  }
0x21: {  	s3 =	sadd.s32 s3, s9;
	s6 =	sadd.s32 @!p0 $0x88, s6;
	s7 =	simm.s32 @p2 $0x1082  }
0x22: {  	[simem:s7], [sflag:s8] =	dma.local @!p0 [hbm:s6], $0xF7A  }
0x23: {  	s9 =	sor.u32 $0xD0000000, s2;
	s6 =	simm.s32 $0x108;
	_ =	swait.ge @!p0 [sflag:s8], $0x0  }
0x24: {  	s3 =	sadd.s32 $0x88, s3;
	s6 =	simm.s32 @!p1 $0x1082;
	[sflag:s4] =	ssyncset.s32 $0xFFFFF086  }
0x25: {  	[simem:s6], [sflag:s4] =	dma.local [hbm:s3], $0xF7A  }
0x26: {  	[smem:$0x3F99] =	sst s1;
	(tag) =	ssettag s2;
	_ =	strace s9  }
0x27: {  	s1 =	sld [smem:$0x3FA9]  }
0x28: {  	s2 =	sld [smem:$0x3FAA]  }
0x29: {  	s4 =	sld [smem:$0x3FAC]  }
0x2a: {  	p0 =	seq.s32 s5, $0x0;
	s5 =	sld [smem:$0x3FAD]  }
0x2b: {  	s6 =	sld [smem:$0x3FAE]  }
0x2c: {  	s7 =	sld [smem:$0x3FAF]  }
0x2d: {  	s3 =	simm.s32 $0x108;
	s8 =	sld [smem:$0x3FB0]  }
0x2e: {  	s3 =	simm.s32 @!p0 $0x1082;
	s9 =	sld [smem:$0x3FB1]  }
0x2f: {  	lr =	sadd.s32 s0, s3;
	s0 =	sld [smem:$0x3FA8]  }
0x30: {  	s3 =	sld [smem:$0x3FAB]  }
0x31: {  	[smem:$0x3FB4] =	sst s10  }
0x32: {  	s10 =	sld [smem:$0x3FB2];
	_ =	sdelay $0x3  }
0x33: {  	p0 =	seq.s32 s10, $0x1;
	s10 =	sld [smem:$0x3FB4];
	_ =	sdelay $0x3  }
0x34: {  	[smem:$0x3FB4] =	sst s10  }
0x35: {  	s10 =	sld [smem:$0x3FB3];
	_ =	sdelay $0x3  }
0x36: {  	p1 =	seq.s32 s10, $0x1;
	s10 =	sld [smem:$0x3FB4];
	_ =	sdelay $0x3  }
0x37: {  	[smem:$0x3FB4] =	sst s10  }
0x38: {  	s10 =	sld [smem:$0x3FB5]  }
0x39: {  	_ = 	snop;
	(pc) =	sbr.ind lr, $3  }
0x3a: {  	_ = 	snop  }
0x3b: {  	_ = 	snop  }
0x3c: {  	p2 =	seq.s32 s10, $0x1;
	s10 =	sld [smem:$0x3FB4]  }
0x3d: {  	_ =	shalt  }
0x3e: {  	_ =	shalt  }
0x3f: {  	_ =	shalt  }
0x40: {  	_ =	shalt  }
0x41: {  	_ =	shalt  }
0x42: {  	_ =	shalt  }
0x43: {  	_ =	shalt  }
0x44: {  	_ =	shalt  }
0x45: {  	_ =	shalt  }
0x46: {  	_ =	shalt  }
0x47: {  	_ =	shalt  }
0x48: {  	_ =	shalt  }
0x49: {  	_ =	shalt  }
0x4a: {  	_ =	shalt  }
0x4b: {  	_ =	shalt  }
0x4c: {  	_ =	shalt  }
0x4d: {  	_ =	shalt  }
0x4e: {  	_ =	shalt  }
0x4f: {  	_ =	shalt  }
0x50: {  	_ =	shalt  }
0x51: {  	_ =	shalt  }
0x52: {  	_ =	shalt  }
0x53: {  	_ =	shalt  }
0x54: {  	_ =	shalt  }
0x55: {  	_ =	shalt  }
0x56: {  	_ =	shalt  }
0x57: {  	_ =	shalt  }
0x58: {  	_ =	shalt  }
0x59: {  	_ =	shalt  }
0x5a: {  	_ =	shalt  }
0x5b: {  	_ =	shalt  }
0x5c: {  	_ =	shalt  }
0x5d: {  	_ =	shalt  }
0x5e: {  	_ =	shalt  }
0x5f: {  	_ =	shalt  }
0x60: {  	_ =	shalt  }
0x61: {  	_ =	shalt  }
0x62: {  	_ =	shalt  }
0x63: {  	_ =	shalt  }
0x64: {  	_ =	shalt  }
0x65: {  	_ =	shalt  }
0x66: {  	_ =	shalt  }
0x67: {  	_ =	shalt  }
0x68: {  	_ =	shalt  }
0x69: {  	_ =	shalt  }
0x6a: {  	_ =	shalt  }
0x6b: {  	_ =	shalt  }
0x6c: {  	_ =	shalt  }
0x6d: {  	_ =	shalt  }
0x6e: {  	_ =	shalt  }
0x6f: {  	_ =	shalt  }
0x70: {  	_ =	shalt  }
0x71: {  	_ =	shalt  }
0x72: {  	_ =	shalt  }
0x73: {  	_ =	shalt  }
0x74: {  	_ =	shalt  }
0x75: {  	_ =	shalt  }
0x76: {  	_ =	shalt  }
0x77: {  	_ =	shalt  }
0x78: {  	_ =	shalt  }
0x79: {  	_ =	shalt  }
0x7a: {  	_ =	shalt  }
0x7b: {  	_ =	shalt  }
0x7c: {  	_ =	shalt  }
0x7d: {  	_ =	shalt  }
0x7e: {  	_ =	shalt  }
0x7f: {  	_ =	shalt  }
0x80: {  	_ =	shalt  }
0x81: {  	_ =	shalt  }
0x82: {  	_ =	shalt  }
0x83: {  	_ =	shalt  }
0x84: {  	_ =	shalt  }
0x85: {  	_ =	shalt  }
0x86: {  	_ =	shalt  }
0x87: {  	_ =	shalt  }
.Lfunc_end0:
.L_simem_size_0:
called_computation_lowered:
.L_overlay_start_0:
0x88: {  	s2 =	sld [smem:$0x3FD9]  }
0x89: {  	s3 =	sld [smem:$0x3FFE];
	_ =	sdelay $0x1  }
0x8a: {  	s1 =	srdreg.scid  }
0x8b: {  	s0 =	sand.u32 $0x1, s1  }
0x8c: {  	s16 =	sshll.u32 s0, $0xA;
	s2 =	sadd.s32 s3, s2  }
0x8d: {  	s2 =	sadd.s32 s2, s16  }
0x8e: {  	[smem:$0x3FC0] =	sst s2  }
0x8f: {  	_ = 	snop  }
0x90: {  	(tm) =	ssettm $0x1  }
0x91: {  	s17 =	sld [smem:$0x3FFB];
	_ =	sdelay $0x3  }
0x92: {  	_ =	strace s17  }
0x93: {  	s2 =	sld [smem:$0x3FFC];
	_ =	sdelay $0x3  }
0x94: {  	_ =	strace s2  }
0x95: {  	s2 =	sld [smem:$0x3FFD];
	_ =	sdelay $0x3  }
0x96: {  	_ =	strace s2  }
0x97: {  	_ =	strace $0x8FFFFFFF  }
0x98: {  	s18 =	sld [smem:$0x3FDB];
	_ =	sdelay $0x1  }
0x99: {  	s19 =	simm.s32 $_scs_section_size  }
0x9a: {  	s4 =	simm.s32 $_size__tile_overlayer_lowered;
	s5 =	simm.s32 $_tile_overlayer_lowered  }
0x9b: {  	s22 =	simm.s32 $0x1BFF;
	s21 =	sshll.u32 s5, $0x1;
	s2 =	sadd.s32 s19, s18  }
0x9c: {  	s6 =	simm.s32 $0x0;
	s20 =	sshll.u32 s4, $0x1;
	s4 =	sadd.s32 s21, s2  }
0x9d: {  	[timem:s6], [sflag:s22] =	dma.local [hbm:s4], s20  }
0x9e: {  	_ =	swait.ge [sflag:s22], s20  }
0x9f: {  	s3 =	ssub.s32 $0x0, s20;
	[sflag:s22] =	ssyncset.done $0x0  }
0xa0: {  	[sflag:s22] =	ssyncadd.s32 s3;
	_ =	sdelay $0x1  }
0xa1: {  	s23 =	simm.s32 $0x1B8B  }
0xa2: {  	_ =	swait.ge [sflag:s23], $0x1  }
0xa3: {  	[sflag:s23] =	ssyncset.done $0x0  }
0xa4: {  	s25 =	simm.s32 $0x1B8E;
	s24 =	sld [smem:$0x3FFE];
	[sflag:s23] =	ssyncadd.s32 $0xFFFFFFFF  }
0xa5: {  	s26 =	simm.s32 $execute0_lowered;
	[smem:$0x3FD2] =	sst s25  }
0xa6: {  	s4 =	sshll.u32 s26, $0x1;
	_ =	strace $0x80000046;
	[dreg:$0x1] =	wrdreg $0xFFFFFFFF  }
0xa7: {  	s28 =	simm.s32 $_size_execute0_lowered;
	s2 =	sadd.s32 s2, s4;
	[dreg:$0x0] =	wrdreg $0x0  }
0xa8: {  	s4 =	sshll.u32 s28, $0x1;
	[dreg:$0x2] =	wrdreg s2  }
0xa9: {  	[dreg:$0x3] =	wrdreg s4  }
0xaa: {  	[dreg:$0x4] =	wrdreg $0xC0  }
0xab: {  	_ =	task [dreg:s6], $0x5FFFF  }
0xac: {  	[dreg:$0x1] =	wrdreg $0xFFFFFFFF  }
0xad: {  	[dreg:$0x0] =	wrdreg $0x60  }
0xae: {  	[dreg:$0x2] =	wrdreg s24  }
0xaf: {  	[dreg:$0x3] =	wrdreg $0x9  }
0xb0: {  	_ =	task.clear_ibuf [dreg:s6], $0x4FFFF;
	_ =	strace $0x90000046  }
0xb1: {  	s29 =	simm.s32 $0x9;
	_ =	strace $0x80000048  }
0xb2: {  	_ =	swait.ge [sflag:s29], $0x1  }
0xb3: {  	[sflag:s29] =	ssyncadd.s32 $0xFFFFFFFF  }
0xb4: {  	_ =	strace $0x90000048  }
0xb5: {  	_ =	sfence  }
0xb6: {  	s30 =	sld [smem:$0x0];
	_ =	sdelay $0x2  }
0xb7: {  	s31 =	sshll.u32 s1, $0xD;
	s1 =	sshrl.u32 s1, $0x2  }
0xb8: {  	s3 =	sand.u32 $0x4000, s31;
	s1 =	sadd.s32 s1, s30  }
0xb9: {  	s0 =	sor.u32 s3, s0;
	s1 =	sshll.u32 s1, $0x11  }
0xba: {  	s0 =	sor.u32 s1, s0  }
0xbb: {  	s0 =	sadd.s32 $0x8F2B, s0  }
0xbc: {  	[sflag:s0] =	ssyncadd.remote.s32 $0x1  }
0xbd: {  	_ =	sfence.sel $0xFFFF  }
0xbe: {  	[dreg:$0x0] =	wrdreg $0xFFFFFFFF;
	(pc) =	sbr.abs _section_cstart, $3  }
0xbf: {  	[dreg:$0x1] =	wrdreg $0xFFFFFFFF  }
0xc0: {  	_ =	task.clear_ibuf [dreg:s6], $0x2FFFF;
	_ =	strace $0x9FFFFFFF  }
0xc1: {  	(tm) =	ssettm $0x7FFFFFFF  }
tec
execute0_lowered:
.L_overlay_start_1:
0x0: {  	(tag) =	ssettag $0x1  }
0x1: {  	s0 =	srdreg.scid  }
0x2: {  	s3 =	sand.u32 $0x1, s0  }
0x3: {  	s4 =	rddreg [dreg:$0x0];
	s0 =	stileid.u32;
	s1 =	sshll.u32 s3, $0x4  }
0x4: {  	s2 =	simm.s32 $0x0;
	s7 =	simm.s32 $0x80;
	s1 =	sor.u32 s0, s1  }
0x5: {  	s8 =	simm.s32 $0x400;
	s9 =	simm.s32 $0x1;
	s1 =	sshrl.u32 s1, $0x3  }
0x6: {  	s10 =	simm.s32 $0x2780;
	s6 =	sshll.u32 s0, $0x7;
	s5 =	smul.u32 $0x13C00, s1  }
0x7: {  	s11 =	simm.s32 $0x0;
	[smem:$0x7FF] =	sst s2;
	s6 =	sand.u32 $0x380, s6  }
0x8: {  	s30 =	ssub.s32 $0x2, s3;
	s3 =	sadd.s32 $0xC200, s4;
	s5 =	sor.u32 s6, s5  }
0x9: {  	s31 =	sshrl.u32 s30, $0x1;
	s1 =	rddreg [dreg:$0x1];
	s5 =	sshrl.u32 s5, $0x3  }
0xa: {  	_ =	strace $0x80000047;
	s6 =	ssub.s32 s30, s31;
	s5 =	sadd.s32 s5, s4  }
0xb: {  	v0 =	vimm.f32 $1.000000000e+00;
	s6 =	smax.u32 s6, $0x1;
	s4 =	sadd.s32 $0x2400, s5;
	s5 =	sadd.s32 $0xC800, s5  }
.LBB2_1:
0xc: {  	[tilespmem:s2], [sflag:$0x1] =	stream.strided.gather [hbm4b:s4+s7], $0x2780, s8, s7, $0x38;
	[tilespmem:$0x4F00] =	vst v63  }
0xd: {  	_ =	swait.ge [sflag:s9], $0x2780  }
0xe: {  	[sflag:s9] =	ssyncset.done $0x0  }
0xf: {  	[sflag:s9] =	ssyncadd.s32 $0xFFFFD880  }
0x10: {  	[tilespmem:s10], [sflag:$0x1] =	stream.linear.gather [hbm4b:s3+s2], $0x2780, $0x38;
	[tilespmem:$0x4F00] =	vst v63  }
0x11: {  	_ =	swait.ge [sflag:s9], $0x2780  }
0x12: {  	[sflag:s9] =	ssyncset.done $0x0  }
0x13: {  	s13 =	simm.s32 $0x0;
	s12 =	simm.s32 $0x40;
	[sflag:s9] =	ssyncadd.s32 $0xFFFFD880  }
.LBB2_2:
0x14: {  	p0 =	sne.s32 s12, $0x9C00;
	v1 =	vld [tilespmem:s13+$0x0];
	_ =	sdelay $0x3  }
.Ltmp0:
0x15: {  	(pc) =	sbr.rel @p0 .LBB2_2-.Ltmp0, $2  }
0x16: {  	_ =	sdelay $0x2  }
0x17: {  	s13 =	sshra.s32 s12, $0x2;
	s12 =	sadd.s32 $0x40, s12;
	[tilespmem:v1+s10+$0x0] =	vst.idx.add.f32.msk $0xffff, v0  }
0x18: {  	v1 =	vld [tilespmem:s13+$0x0];
	_ =	sdelay $0x5  }
0x19: {  	s11 =	sadd.s32 $0x1, s11  }
0x1a: {  	p0 =	sne.s32 s11, s6  }
.Ltmp1:
0x1b: {  	[tilespmem:v1+s10+$0x0] =	vst.idx.add.f32.msk $0xffff, v0;
	(pc) =	sbr.rel @p0 .LBB2_1-.Ltmp1, $4  }
0x1c: {  	[hbm4b:s5+s7] =	stream.strided.scatter [tilespmem:s10], [sflag:$0x1], $0x2780, s8, s7, $0x38;
	[tilespmem:$0x4F00] =	vst v63  }
0x1d: {  	_ =	swait.ge [sflag:s9], $0x2780  }
0x1e: {  	[sflag:s9] =	ssyncset.done $0x0  }
0x1f: {  	[sflag:s9] =	ssyncadd.s32 $0xFFFFD880  }
0x20: {  	_ =	sfence.sel $0x180000  }
0x21: {  	[bflag:$0x0] =	sbarrier.arrive $0xFFFF  }
0x22: {  	p0 =	sne.s32 s0, $0x0;
	_ =	strace $0x90000047  }
0x23: {  	s0 =	sadd.s32 @!p0 $0x100000, s1;
	[bflag:$0x2] =	sbarrier.arrive $0xFFFF  }
0x24: {  	[sflag:s0] =	ssyncadd.tile.s32 @!p0 $0x1;
	_ =	shalt  }
.Lfunc_end2:
_tile_overlayer_lowered:
.L_overlay_start_2:
0x25: {  	(tag) =	ssettag $0x2  }
0x26: {  	s0 =	rddreg [dreg:$0x0];
	s2 =	stileid.u32  }
0x27: {  	s1 =	rddreg [dreg:$0x1];
	p0 =	sne.s32 s2, $0x0  }
0x28: {  	s3 =	rddreg [dreg:$0x2];
	[bflag:$0x3] =	sbarrier.arrive $0xFFFF;
	s2 =	simm.s32 @!p0 $0x1C01  }
0x29: {  	[timem:s3], [sflag:s2] =	dma.local @!p0 [hbm:s0], s1  }
0x2a: {  	s0 =	simm.s32 @!p0 $0x1  }
0x2b: {  	_ =	swait.ge @!p0 [sflag:s0], s1  }
0x2c: {  	s1 =	ssub.s32 @!p0 $0x0, s1;
	[sflag:s0] =	ssyncset.done @!p0 $0x0  }
0x2d: {  	[sflag:s0] =	ssyncadd.s32 @!p0 s1  }
0x2e: {  	[bflag:$0x3] =	sbarrier.arrive $0xFFFF  }
0x2f: {  	_ =	shalt  }

</sc_bundles>
